<compile_context>
chip_gen: v7x
topology: tpu7x:2x2x1
jax: 0.10.2.dev20260603
libtpu: 0.0.44.dev20260713+nightly
codegen_flags: <defaults>
</compile_context>

<pallas_src>
import functools

import jax
import jax.numpy as jnp
from jax import lax
from jax.experimental import pallas as pl
from jax.experimental.pallas import tpu as pltpu
from jax.experimental.pallas import tpu_sc as plsc

_N = 50000
_E = 1600000
_CUTOFF = 10.0
_KE = 14.399645351950548

_NC = 2
_NS = 16
_NW = _NC * _NS
_CH = 2560
_NCHUNK = _E // _CH
_KMIN = _NCHUNK // _NW
_NW_EXTRA = _NCHUNK - _KMIN * _NW
_NVEC = _CH // 16


def _chi_tc(d):
    x = d * (2.0 / _CUTOFF)
    x3 = x * x * x
    x4 = x3 * x
    x5 = x4 * x
    poly = 1.0 - 6.0 * x5 + 15.0 * x4 - 10.0 * x3
    p = jnp.where(d < (_CUTOFF * 0.5), poly, 0.0)
    dd = d * d
    return p * lax.rsqrt(dd + 1.0) + (1.0 - p) * lax.rsqrt(dd)


_CBLK = 160000
_CNCH = _E // _CBLK


def _chi_body(d_hbm, w_hbm, d0, d1, w0, w1, si0, si1, so0, so1):
    d_bufs, w_bufs = (d0, d1), (w0, w1)
    si, so = (si0, si1), (so0, so1)

    def copy_in(c, b):
        return pltpu.make_async_copy(d_hbm.at[pl.ds(c * _CBLK, _CBLK)], d_bufs[b], si[b])

    def copy_out(c, b):
        return pltpu.make_async_copy(w_bufs[b], w_hbm.at[pl.ds(c * _CBLK, _CBLK)], so[b])

    copy_in(0, 0).start()
    for c in range(_CNCH):
        b = c % 2
        if c + 1 < _CNCH:
            copy_in(c + 1, 1 - b).start()
        copy_in(c, b).wait()
        if c >= 2:
            copy_out(c - 2, b).wait()
        w_bufs[b][...] = _chi_tc(d_bufs[b][...])
        copy_out(c, b).start()
    copy_out(_CNCH - 2, _CNCH % 2).wait()
    copy_out(_CNCH - 1, (_CNCH - 1) % 2).wait()


def _sc_body(qi_hbm, edge_hbm, w_hbm, out_hbm,
             qi_v, acc_v,
             edge_a, w_a, edge_b, w_b,
             semq, sema, semb):
    wid = lax.axis_index("c") * _NS + lax.axis_index("s")
    buf_a = (edge_a, w_a)
    buf_b = (edge_b, w_b)

    def issue(k, bufs, sem):
        off = (wid + k * _NW) * _CH
        pltpu.async_copy(edge_hbm.at[:, pl.ds(off, _CH)], bufs[0], sem)
        pltpu.async_copy(w_hbm.at[pl.ds(off, _CH)], bufs[1], sem)

    def drain(k, bufs, sem):
        off = (wid + k * _NW) * _CH
        pltpu.make_async_copy(edge_hbm.at[:, pl.ds(off, _CH)], bufs[0], sem).wait()
        pltpu.make_async_copy(w_hbm.at[pl.ds(off, _CH)], bufs[1], sem).wait()

    def compute(bufs):
        @plsc.parallel_loop(0, _NVEC, unroll=5)
        def _vec(j):
            s = bufs[0][0, pl.ds(j * 16, 16)]
            t = bufs[0][1, pl.ds(j * 16, 16)]
            w = bufs[1][pl.ds(j * 16, 16)]
            q1 = plsc.load_gather(qi_v, [s])
            q2 = plsc.load_gather(qi_v, [t])
            plsc.addupdate_scatter(acc_v, [s], q1 * q2 * w)

    qi_cp = pltpu.async_copy(qi_hbm, qi_v, semq)
    issue(0, buf_a, sema)

    @plsc.parallel_loop(0, _N // 16, unroll=5)
    def _zero(j):
        acc_v[pl.ds(j * 16, 16)] = jnp.zeros((16,), jnp.float32)

    qi_cp.wait()

    def chunk_pair(p, carry):
        k = 2 * p
        drain(k, buf_a, sema)
        issue(k + 1, buf_b, semb)
        compute(buf_a)
        drain(k + 1, buf_b, semb)
        issue(k + 2, buf_a, sema)
        compute(buf_b)
        return carry

    lax.fori_loop(0, (_KMIN - 1) // 2, chunk_pair, 0)

    drain(_KMIN - 1, buf_a, sema)

    @pl.when(wid < _NW_EXTRA)
    def _issue_tail():
        issue(_KMIN, buf_b, semb)

    compute(buf_a)

    @pl.when(wid < _NW_EXTRA)
    def _tail():
        drain(_KMIN, buf_b, semb)
        compute(buf_b)

    pltpu.sync_copy(acc_v, out_hbm.at[wid])


@functools.lru_cache(maxsize=1)
def _sc_call():
    return functools.partial(
        pl.kernel,
        mesh=plsc.VectorSubcoreMesh(core_axis_name="c", subcore_axis_name="s"),
        out_type=jax.ShapeDtypeStruct((_NW, _N), jnp.float32),
        compiler_params=pltpu.CompilerParams(needs_layout_passes=False),
        scratch_types=[
            pltpu.VMEM((_N,), jnp.float32),
            pltpu.VMEM((_N,), jnp.float32),
            pltpu.VMEM((2, _CH), jnp.int32),
            pltpu.VMEM((_CH,), jnp.float32),
            pltpu.VMEM((2, _CH), jnp.int32),
            pltpu.VMEM((_CH,), jnp.float32),
            pltpu.SemaphoreType.DMA,
            pltpu.SemaphoreType.DMA,
            pltpu.SemaphoreType.DMA,
        ],
    )(_sc_body)


def _tc_reduce(x_ref, o_ref):
    o_ref[...] = jnp.sum(x_ref[...], axis=0) * (_KE * 0.5)


@jax.jit
def kernel(qi, edge_dist, edge_index):
    w = pl.pallas_call(
        _chi_body,
        in_specs=[pl.BlockSpec(memory_space=pl.ANY)],
        out_specs=pl.BlockSpec(memory_space=pl.ANY),
        out_shape=jax.ShapeDtypeStruct((_E,), jnp.float32),
        scratch_shapes=[
            pltpu.VMEM((_CBLK,), jnp.float32),
            pltpu.VMEM((_CBLK,), jnp.float32),
            pltpu.VMEM((_CBLK,), jnp.float32),
            pltpu.VMEM((_CBLK,), jnp.float32),
            pltpu.SemaphoreType.DMA,
            pltpu.SemaphoreType.DMA,
            pltpu.SemaphoreType.DMA,
            pltpu.SemaphoreType.DMA,
        ],
    )(edge_dist)
    part = _sc_call()(qi, edge_index, w)
    return pl.pallas_call(
        _tc_reduce,
        out_shape=jax.ShapeDtypeStruct((_N,), jnp.float32),
    )(part)

# --- scband reference (transcript-rebuilt; emitter-appended) ---
"""Pipeline reference for scband-coulomb-layer-21191368639077 (READ-ONLY COPY).

The authoritative reference and input builder live on the scoring server;
editing this copy changes nothing except your own understanding.
"""

import jax, jax.numpy as jnp
import numpy as np

N_NODES = 50000
N_EDGES = 1600000
CUTOFF = 10.0
K_E = 14.399645351950548  # Coulomb constant (eV*Angstrom/e^2), as in PhysNet


def _phi(r, cutoff):
    # PhysNet smooth cutoff polynomial, clamped to 0 beyond cutoff
    x = r / cutoff
    x3 = x ** 3
    x4 = x3 * x
    x5 = x4 * x
    poly = 1.0 - 6.0 * x5 + 15.0 * x4 - 10.0 * x3
    return jnp.where(r < cutoff, poly, jnp.zeros_like(r))


def _chi(dist, cutoff):
    # damped/switched 1/r: phi(2r)/sqrt(r^2+1) + (1-phi(2r))/r
    p = _phi(2.0 * dist, cutoff)
    return p / jnp.sqrt(dist ** 2 + 1.0) + (1.0 - p) / dist


def setup_inputs(seed: int = 0) -> dict:
    key = jax.random.key(seed)
    k1, k2, k3 = jax.random.split(key, 3)
    qi = jax.random.normal(k1, (N_NODES,), dtype=jnp.float32) * 0.3
    # positive pair distances in [0.5, 12.0) Angstrom (fill=rand, scaled)
    edge_dist = jax.random.uniform(k2, (N_EDGES,), dtype=jnp.float32, minval=0.5, maxval=12.0)
    edge_index = jax.random.randint(k3, (2, N_EDGES), 0, N_NODES, dtype=jnp.int64 if jax.config.jax_enable_x64 else jnp.int32).astype(jnp.int32)
    return {"qi": qi, "edge_dist": edge_dist, "edge_index": edge_index}


def reference(qi, edge_dist, edge_index):
    # gather charges on both ends of each edge
    q_first = jnp.take(qi, edge_index[0, :], axis=0)
    q_second = jnp.take(qi, edge_index[1, :], axis=0)
    pair_e = q_first * q_second * _chi(edge_dist, CUTOFF)
    # scatter-add pair energies to source atoms; /2 for double counting
    atom_e = jnp.zeros((N_NODES,), dtype=qi.dtype).at[edge_index[0, :]].add(pair_e)
    return K_E * atom_e / 2.0

if __name__ == "__main__":
    import jax
    _d = setup_inputs()
    print(jax.jit(kernel)(*tuple(_d.values())))

</pallas_src>

<mosaic_0001>
#map = affine_map<(d0, d1) -> (0)>
#map1 = affine_map<(d0, d1) -> (0, 0)>
module attributes {stable_mosaic.version = 14 : i64} {
  func.func @_sc_body(%arg0: i32, %arg1: i32, %arg2: memref<50000xf32, #tpu.memory_space<hbm>>, %arg3: memref<2x1600000xi32, #tpu.memory_space<hbm>>, %arg4: memref<1600000xf32, #tpu.memory_space<hbm>>, %arg5: memref<32x50000xf32, #tpu.memory_space<hbm>>, %arg6: memref<50000xf32, #tpu.memory_space<vmem>>, %arg7: memref<50000xf32, #tpu.memory_space<vmem>>, %arg8: memref<2x2560xi32, #tpu.memory_space<vmem>>, %arg9: memref<2560xf32, #tpu.memory_space<vmem>>, %arg10: memref<2x2560xi32, #tpu.memory_space<vmem>>, %arg11: memref<2560xf32, #tpu.memory_space<vmem>>, %arg12: memref<!tpu.dma_semaphore, #tpu.memory_space<semaphore_mem>>, %arg13: memref<!tpu.dma_semaphore, #tpu.memory_space<semaphore_mem>>, %arg14: memref<!tpu.dma_semaphore, #tpu.memory_space<semaphore_mem>>) attributes {dimension_semantics = [#tpu.dimension_semantics<core_parallel>, #tpu.dimension_semantics<subcore_parallel>], iteration_bounds = array<i64: 2, 16>, scalar_prefetch = 0 : i64, scratch_operands = 9 : i64, tpu.core_type = #tpu.core_type<sc_vector_subcore>, window_params = [{transform_indices = #map}, {transform_indices = #map1}, {transform_indices = #map}, {transform_indices = #map1}]} {
    %mul3A = arith.constant 16 : i32
    %mul3A_0 = arith.muli %arg0, %mul3A : i32
    %add3A = arith.addi %mul3A_0, %arg1 : i32
    tpu.enqueue_dma source(%arg2 : memref<50000xf32, #tpu.memory_space<hbm>>) target(%arg6 : memref<50000xf32, #tpu.memory_space<vmem>>) target_semaphore(%arg12 : memref<!tpu.dma_semaphore, #tpu.memory_space<semaphore_mem>>)
    %add3A_1 = arith.constant 0 : i32
    %add3A_2 = arith.addi %add3A, %add3A_1 : i32
    %mul3A_3 = arith.constant 2560 : i32
    %mul3A_4 = arith.muli %add3A_2, %mul3A_3 : i32
    %dma_start3A = arith.constant 0 : i32
    %dma_start3A_5 = tpu.memref_slice %arg3[%dma_start3A, %mul3A_4] : memref<2x1600000xi32, #tpu.memory_space<hbm>> -> memref<2x2560xi32, #tpu.memory_space<hbm>>
    %dma_start3A_6 = arith.constant 0 : i32
    %dma_start3A_7 = tpu.memref_slice %arg3[%dma_start3A_6, %mul3A_4] : memref<2x1600000xi32, #tpu.memory_space<hbm>> -> memref<2x2560xi32, #tpu.memory_space<hbm>>
    tpu.enqueue_dma source(%dma_start3A_7 : memref<2x2560xi32, #tpu.memory_space<hbm>>) target(%arg8 : memref<2x2560xi32, #tpu.memory_space<vmem>>) target_semaphore(%arg13 : memref<!tpu.dma_semaphore, #tpu.memory_space<semaphore_mem>>)
    %dma_start3A_8 = tpu.memref_slice %arg4[%mul3A_4] : memref<1600000xf32, #tpu.memory_space<hbm>> -> memref<2560xf32, #tpu.memory_space<hbm>>
    %dma_start3A_9 = tpu.memref_slice %arg4[%mul3A_4] : memref<1600000xf32, #tpu.memory_space<hbm>> -> memref<2560xf32, #tpu.memory_space<hbm>>
    tpu.enqueue_dma source(%dma_start3A_9 : memref<2560xf32, #tpu.memory_space<hbm>>) target(%arg9 : memref<2560xf32, #tpu.memory_space<vmem>>) target_semaphore(%arg13 : memref<!tpu.dma_semaphore, #tpu.memory_space<semaphore_mem>>)
    %parallel_loop3A = arith.constant 0 : i32
    %parallel_loop3A_10 = arith.constant 3125 : i32
    %parallel_loop3A_11 = arith.constant 1 : i32
    scf.for %parallel_loop3A_36 = %parallel_loop3A to %parallel_loop3A_10 step %parallel_loop3A_11  : i32 {
      %parallel_loop3A_37 = arith.constant 0.000000e+00 : f32
      %parallel_loop3A_38 = vector.broadcast %parallel_loop3A_37 : f32 to vector<16xf32>
      %parallel_loop3A_39 = arith.constant 16 : i32
      %parallel_loop3A_40 = arith.muli %parallel_loop3A_36, %parallel_loop3A_39 : i32
      %parallel_loop3A_41 = arith.index_cast %parallel_loop3A_40 : i32 to index
      %parallel_loop3A_42 = tpu.vector_load %arg7[%parallel_loop3A_41] {strides = array<i32>} : memref<50000xf32, #tpu.memory_space<vmem>>, vector<16xf32>,
      tpu.vector_store %arg7[%parallel_loop3A_41], %parallel_loop3A_38 {strides = array<i32>} : memref<50000xf32, #tpu.memory_space<vmem>>, vector<16xf32>,
    } {sc.loop_unroll_factor = 5 : i64, sc.parallel_access}
    tpu.wait_dma2 semaphore(%arg12 : memref<!tpu.dma_semaphore, #tpu.memory_space<semaphore_mem>>) src(%arg2 : memref<50000xf32, #tpu.memory_space<hbm>>) dst(%arg6 : memref<50000xf32, #tpu.memory_space<vmem>>)
    %scan3A = arith.constant 0 : i32
    %scan3A_12 = arith.constant 0 : i32
    %scan3A_13 = arith.constant 9 : i32
    %scan3A_14 = arith.addi %scan3A_12, %scan3A_13 : i32
    %scan3A_15 = arith.constant 1 : i32
    scf.for %scan3A_36 = %scan3A_12 to %scan3A_14 step %scan3A_15  : i32 {
      %mul3A_37 = arith.constant 2 : i32
      %mul3A_38 = arith.muli %mul3A_37, %scan3A_36 : i32
      %mul3A_39 = arith.constant 32 : i32
      %mul3A_40 = arith.muli %mul3A_38, %mul3A_39 : i32
      %add3A_41 = arith.addi %add3A, %mul3A_40 : i32
      %mul3A_42 = arith.constant 2560 : i32
      %mul3A_43 = arith.muli %add3A_41, %mul3A_42 : i32
      %dma_wait3A_44 = arith.constant 0 : i32
      %dma_wait3A_45 = tpu.memref_slice %arg3[%dma_wait3A_44, %mul3A_43] : memref<2x1600000xi32, #tpu.memory_space<hbm>> -> memref<2x2560xi32, #tpu.memory_space<hbm>>
      %dma_wait3A_46 = arith.constant 0 : i32
      %dma_wait3A_47 = tpu.memref_slice %arg3[%dma_wait3A_46, %mul3A_43] : memref<2x1600000xi32, #tpu.memory_space<hbm>> -> memref<2x2560xi32, #tpu.memory_space<hbm>>
      tpu.wait_dma2 semaphore(%arg13 : memref<!tpu.dma_semaphore, #tpu.memory_space<semaphore_mem>>) src(%dma_wait3A_47 : memref<2x2560xi32, #tpu.memory_space<hbm>>) dst(%arg8 : memref<2x2560xi32, #tpu.memory_space<vmem>>)
      %dma_wait3A_48 = tpu.memref_slice %arg4[%mul3A_43] : memref<1600000xf32, #tpu.memory_space<hbm>> -> memref<2560xf32, #tpu.memory_space<hbm>>
      %dma_wait3A_49 = tpu.memref_slice %arg4[%mul3A_43] : memref<1600000xf32, #tpu.memory_space<hbm>> -> memref<2560xf32, #tpu.memory_space<hbm>>
      tpu.wait_dma2 semaphore(%arg13 : memref<!tpu.dma_semaphore, #tpu.memory_space<semaphore_mem>>) src(%dma_wait3A_49 : memref<2560xf32, #tpu.memory_space<hbm>>) dst(%arg9 : memref<2560xf32, #tpu.memory_space<vmem>>)
      %add3A_50 = arith.constant 1 : i32
      %add3A_51 = arith.addi %mul3A_38, %add3A_50 : i32
      %mul3A_52 = arith.constant 32 : i32
      %mul3A_53 = arith.muli %add3A_51, %mul3A_52 : i32
      %add3A_54 = arith.addi %add3A, %mul3A_53 : i32
      %mul3A_55 = arith.constant 2560 : i32
      %mul3A_56 = arith.muli %add3A_54, %mul3A_55 : i32
      %dma_start3A_57 = arith.constant 0 : i32
      %dma_start3A_58 = tpu.memref_slice %arg3[%dma_start3A_57, %mul3A_56] : memref<2x1600000xi32, #tpu.memory_space<hbm>> -> memref<2x2560xi32, #tpu.memory_space<hbm>>
      %dma_start3A_59 = arith.constant 0 : i32
      %dma_start3A_60 = tpu.memref_slice %arg3[%dma_start3A_59, %mul3A_56] : memref<2x1600000xi32, #tpu.memory_space<hbm>> -> memref<2x2560xi32, #tpu.memory_space<hbm>>
      tpu.enqueue_dma source(%dma_start3A_60 : memref<2x2560xi32, #tpu.memory_space<hbm>>) target(%arg10 : memref<2x2560xi32, #tpu.memory_space<vmem>>) target_semaphore(%arg14 : memref<!tpu.dma_semaphore, #tpu.memory_space<semaphore_mem>>)
      %dma_start3A_61 = tpu.memref_slice %arg4[%mul3A_56] : memref<1600000xf32, #tpu.memory_space<hbm>> -> memref<2560xf32, #tpu.memory_space<hbm>>
      %dma_start3A_62 = tpu.memref_slice %arg4[%mul3A_56] : memref<1600000xf32, #tpu.memory_space<hbm>> -> memref<2560xf32, #tpu.memory_space<hbm>>
      tpu.enqueue_dma source(%dma_start3A_62 : memref<2560xf32, #tpu.memory_space<hbm>>) target(%arg11 : memref<2560xf32, #tpu.memory_space<vmem>>) target_semaphore(%arg14 : memref<!tpu.dma_semaphore, #tpu.memory_space<semaphore_mem>>)
      %parallel_loop3A_63 = arith.constant 0 : i32
      %parallel_loop3A_64 = arith.constant 160 : i32
      %parallel_loop3A_65 = arith.constant 1 : i32
      scf.for %parallel_loop3A_95 = %parallel_loop3A_63 to %parallel_loop3A_64 step %parallel_loop3A_65  : i32 {
        %parallel_loop3A_96 = arith.constant 16 : i32
        %parallel_loop3A_97 = arith.muli %parallel_loop3A_95, %parallel_loop3A_96 : i32
        %parallel_loop3A_98 = arith.constant 0 : i32
        %parallel_loop3A_99 = arith.index_cast %parallel_loop3A_98 : i32 to index
        %parallel_loop3A_100 = arith.index_cast %parallel_loop3A_97 : i32 to index
        %parallel_loop3A_101 = tpu.vector_load %arg8[%parallel_loop3A_99, %parallel_loop3A_100] {strides = array<i32>} : memref<2x2560xi32, #tpu.memory_space<vmem>>, vector<16xi32>,
        %parallel_loop3A_102 = arith.constant 16 : i32
        %parallel_loop3A_103 = arith.muli %parallel_loop3A_95, %parallel_loop3A_102 : i32
        %parallel_loop3A_104 = arith.constant 1 : i32
        %parallel_loop3A_105 = arith.index_cast %parallel_loop3A_104 : i32 to index
        %parallel_loop3A_106 = arith.index_cast %parallel_loop3A_103 : i32 to index
        %parallel_loop3A_107 = tpu.vector_load %arg8[%parallel_loop3A_105, %parallel_loop3A_106] {strides = array<i32>} : memref<2x2560xi32, #tpu.memory_space<vmem>>, vector<16xi32>,
        %parallel_loop3A_108 = arith.constant 16 : i32
        %parallel_loop3A_109 = arith.muli %parallel_loop3A_95, %parallel_loop3A_108 : i32
        %parallel_loop3A_110 = arith.index_cast %parallel_loop3A_109 : i32 to index
        %parallel_loop3A_111 = tpu.vector_load %arg9[%parallel_loop3A_110] {strides = array<i32>} : memref<2560xf32, #tpu.memory_space<vmem>>, vector<16xf32>,
        %parallel_loop3A_112 = tpu.vector_load_idx %arg6[%parallel_loop3A_101] : memref<50000xf32, #tpu.memory_space<vmem>>[vector<16xi32>], vector<16xf32>,
        %parallel_loop3A_113 = tpu.vector_load_idx %arg6[%parallel_loop3A_107] : memref<50000xf32, #tpu.memory_space<vmem>>[vector<16xi32>], vector<16xf32>,
        %parallel_loop3A_114 = arith.mulf %parallel_loop3A_112, %parallel_loop3A_113 : vector<16xf32>
        %parallel_loop3A_115 = arith.mulf %parallel_loop3A_114, %parallel_loop3A_111 : vector<16xf32>
        tpu.vector_store_idx %arg7[%parallel_loop3A_101], %parallel_loop3A_115 {add = true} : memref<50000xf32, #tpu.memory_space<vmem>>[vector<16xi32>], vector<16xf32>,
      } {sc.loop_unroll_factor = 5 : i64, sc.parallel_access}
      %add3A_66 = arith.constant 1 : i32
      %add3A_67 = arith.addi %mul3A_38, %add3A_66 : i32
      %mul3A_68 = arith.constant 32 : i32
      %mul3A_69 = arith.muli %add3A_67, %mul3A_68 : i32
      %add3A_70 = arith.addi %add3A, %mul3A_69 : i32
      %mul3A_71 = arith.constant 2560 : i32
      %mul3A_72 = arith.muli %add3A_70, %mul3A_71 : i32
      %dma_wait3A_73 = arith.constant 0 : i32
      %dma_wait3A_74 = tpu.memref_slice %arg3[%dma_wait3A_73, %mul3A_72] : memref<2x1600000xi32, #tpu.memory_space<hbm>> -> memref<2x2560xi32, #tpu.memory_space<hbm>>
      %dma_wait3A_75 = arith.constant 0 : i32
      %dma_wait3A_76 = tpu.memref_slice %arg3[%dma_wait3A_75, %mul3A_72] : memref<2x1600000xi32, #tpu.memory_space<hbm>> -> memref<2x2560xi32, #tpu.memory_space<hbm>>
      tpu.wait_dma2 semaphore(%arg14 : memref<!tpu.dma_semaphore, #tpu.memory_space<semaphore_mem>>) src(%dma_wait3A_76 : memref<2x2560xi32, #tpu.memory_space<hbm>>) dst(%arg10 : memref<2x2560xi32, #tpu.memory_space<vmem>>)
      %dma_wait3A_77 = tpu.memref_slice %arg4[%mul3A_72] : memref<1600000xf32, #tpu.memory_space<hbm>> -> memref<2560xf32, #tpu.memory_space<hbm>>
      %dma_wait3A_78 = tpu.memref_slice %arg4[%mul3A_72] : memref<1600000xf32, #tpu.memory_space<hbm>> -> memref<2560xf32, #tpu.memory_space<hbm>>
      tpu.wait_dma2 semaphore(%arg14 : memref<!tpu.dma_semaphore, #tpu.memory_space<semaphore_mem>>) src(%dma_wait3A_78 : memref<2560xf32, #tpu.memory_space<hbm>>) dst(%arg11 : memref<2560xf32, #tpu.memory_space<vmem>>)
      %add3A_79 = arith.constant 2 : i32
      %add3A_80 = arith.addi %mul3A_38, %add3A_79 : i32
      %mul3A_81 = arith.constant 32 : i32
      %mul3A_82 = arith.muli %add3A_80, %mul3A_81 : i32
      %add3A_83 = arith.addi %add3A, %mul3A_82 : i32
      %mul3A_84 = arith.constant 2560 : i32
      %mul3A_85 = arith.muli %add3A_83, %mul3A_84 : i32
      %dma_start3A_86 = arith.constant 0 : i32
      %dma_start3A_87 = tpu.memref_slice %arg3[%dma_start3A_86, %mul3A_85] : memref<2x1600000xi32, #tpu.memory_space<hbm>> -> memref<2x2560xi32, #tpu.memory_space<hbm>>
      %dma_start3A_88 = arith.constant 0 : i32
      %dma_start3A_89 = tpu.memref_slice %arg3[%dma_start3A_88, %mul3A_85] : memref<2x1600000xi32, #tpu.memory_space<hbm>> -> memref<2x2560xi32, #tpu.memory_space<hbm>>
      tpu.enqueue_dma source(%dma_start3A_89 : memref<2x2560xi32, #tpu.memory_space<hbm>>) target(%arg8 : memref<2x2560xi32, #tpu.memory_space<vmem>>) target_semaphore(%arg13 : memref<!tpu.dma_semaphore, #tpu.memory_space<semaphore_mem>>)
      %dma_start3A_90 = tpu.memref_slice %arg4[%mul3A_85] : memref<1600000xf32, #tpu.memory_space<hbm>> -> memref<2560xf32, #tpu.memory_space<hbm>>
      %dma_start3A_91 = tpu.memref_slice %arg4[%mul3A_85] : memref<1600000xf32, #tpu.memory_space<hbm>> -> memref<2560xf32, #tpu.memory_space<hbm>>
      tpu.enqueue_dma source(%dma_start3A_91 : memref<2560xf32, #tpu.memory_space<hbm>>) target(%arg9 : memref<2560xf32, #tpu.memory_space<vmem>>) target_semaphore(%arg13 : memref<!tpu.dma_semaphore, #tpu.memory_space<semaphore_mem>>)
      %parallel_loop3A_92 = arith.constant 0 : i32
      %parallel_loop3A_93 = arith.constant 160 : i32
      %parallel_loop3A_94 = arith.constant 1 : i32
      scf.for %parallel_loop3A_95 = %parallel_loop3A_92 to %parallel_loop3A_93 step %parallel_loop3A_94  : i32 {
        %parallel_loop3A_96 = arith.constant 16 : i32
        %parallel_loop3A_97 = arith.muli %parallel_loop3A_95, %parallel_loop3A_96 : i32
        %parallel_loop3A_98 = arith.constant 0 : i32
        %parallel_loop3A_99 = arith.index_cast %parallel_loop3A_98 : i32 to index
        %parallel_loop3A_100 = arith.index_cast %parallel_loop3A_97 : i32 to index
        %parallel_loop3A_101 = tpu.vector_load %arg10[%parallel_loop3A_99, %parallel_loop3A_100] {strides = array<i32>} : memref<2x2560xi32, #tpu.memory_space<vmem>>, vector<16xi32>,
        %parallel_loop3A_102 = arith.constant 16 : i32
        %parallel_loop3A_103 = arith.muli %parallel_loop3A_95, %parallel_loop3A_102 : i32
        %parallel_loop3A_104 = arith.constant 1 : i32
        %parallel_loop3A_105 = arith.index_cast %parallel_loop3A_104 : i32 to index
        %parallel_loop3A_106 = arith.index_cast %parallel_loop3A_103 : i32 to index
        %parallel_loop3A_107 = tpu.vector_load %arg10[%parallel_loop3A_105, %parallel_loop3A_106] {strides = array<i32>} : memref<2x2560xi32, #tpu.memory_space<vmem>>, vector<16xi32>,
        %parallel_loop3A_108 = arith.constant 16 : i32
        %parallel_loop3A_109 = arith.muli %parallel_loop3A_95, %parallel_loop3A_108 : i32
        %parallel_loop3A_110 = arith.index_cast %parallel_loop3A_109 : i32 to index
        %parallel_loop3A_111 = tpu.vector_load %arg11[%parallel_loop3A_110] {strides = array<i32>} : memref<2560xf32, #tpu.memory_space<vmem>>, vector<16xf32>,
        %parallel_loop3A_112 = tpu.vector_load_idx %arg6[%parallel_loop3A_101] : memref<50000xf32, #tpu.memory_space<vmem>>[vector<16xi32>], vector<16xf32>,
        %parallel_loop3A_113 = tpu.vector_load_idx %arg6[%parallel_loop3A_107] : memref<50000xf32, #tpu.memory_space<vmem>>[vector<16xi32>], vector<16xf32>,
        %parallel_loop3A_114 = arith.mulf %parallel_loop3A_112, %parallel_loop3A_113 : vector<16xf32>
        %parallel_loop3A_115 = arith.mulf %parallel_loop3A_114, %parallel_loop3A_111 : vector<16xf32>
        tpu.vector_store_idx %arg7[%parallel_loop3A_101], %parallel_loop3A_115 {add = true} : memref<50000xf32, #tpu.memory_space<vmem>>[vector<16xi32>], vector<16xf32>,
      } {sc.loop_unroll_factor = 5 : i64, sc.parallel_access}
    }
    %scan3A_16 = arith.constant 9 : i32
    %add3A_17 = arith.constant 576 : i32
    %add3A_18 = arith.addi %add3A, %add3A_17 : i32
    %mul3A_19 = arith.constant 2560 : i32
    %mul3A_20 = arith.muli %add3A_18, %mul3A_19 : i32
    %dma_wait3A = arith.constant 0 : i32
    %dma_wait3A_21 = tpu.memref_slice %arg3[%dma_wait3A, %mul3A_20] : memref<2x1600000xi32, #tpu.memory_space<hbm>> -> memref<2x2560xi32, #tpu.memory_space<hbm>>
    %dma_wait3A_22 = arith.constant 0 : i32
    %dma_wait3A_23 = tpu.memref_slice %arg3[%dma_wait3A_22, %mul3A_20] : memref<2x1600000xi32, #tpu.memory_space<hbm>> -> memref<2x2560xi32, #tpu.memory_space<hbm>>
    tpu.wait_dma2 semaphore(%arg13 : memref<!tpu.dma_semaphore, #tpu.memory_space<semaphore_mem>>) src(%dma_wait3A_23 : memref<2x2560xi32, #tpu.memory_space<hbm>>) dst(%arg8 : memref<2x2560xi32, #tpu.memory_space<vmem>>)
    %dma_wait3A_24 = tpu.memref_slice %arg4[%mul3A_20] : memref<1600000xf32, #tpu.memory_space<hbm>> -> memref<2560xf32, #tpu.memory_space<hbm>>
    %dma_wait3A_25 = tpu.memref_slice %arg4[%mul3A_20] : memref<1600000xf32, #tpu.memory_space<hbm>> -> memref<2560xf32, #tpu.memory_space<hbm>>
    tpu.wait_dma2 semaphore(%arg13 : memref<!tpu.dma_semaphore, #tpu.memory_space<semaphore_mem>>) src(%dma_wait3A_25 : memref<2560xf32, #tpu.memory_space<hbm>>) dst(%arg9 : memref<2560xf32, #tpu.memory_space<vmem>>)
    %lt3A = arith.constant 17 : i32
    %lt3A_26 = arith.cmpi slt, %add3A, %lt3A : i32
    %convert_element_type3A = arith.extui %lt3A_26 : i1 to i32
    %cond3A = arith.constant 0 : i32
    %cond3A_27 = arith.cmpi ne, %convert_element_type3A, %cond3A : i32
    scf.if %cond3A_27 {
      %add3A_36 = arith.constant 608 : i32
      %add3A_37 = arith.addi %add3A, %add3A_36 : i32
      %mul3A_38 = arith.constant 2560 : i32
      %mul3A_39 = arith.muli %add3A_37, %mul3A_38 : i32
      %dma_start3A_40 = arith.constant 0 : i32
      %dma_start3A_41 = tpu.memref_slice %arg3[%dma_start3A_40, %mul3A_39] : memref<2x1600000xi32, #tpu.memory_space<hbm>> -> memref<2x2560xi32, #tpu.memory_space<hbm>>
      %dma_start3A_42 = arith.constant 0 : i32
      %dma_start3A_43 = tpu.memref_slice %arg3[%dma_start3A_42, %mul3A_39] : memref<2x1600000xi32, #tpu.memory_space<hbm>> -> memref<2x2560xi32, #tpu.memory_space<hbm>>
      tpu.enqueue_dma source(%dma_start3A_43 : memref<2x2560xi32, #tpu.memory_space<hbm>>) target(%arg10 : memref<2x2560xi32, #tpu.memory_space<vmem>>) target_semaphore(%arg14 : memref<!tpu.dma_semaphore, #tpu.memory_space<semaphore_mem>>)
      %dma_start3A_44 = tpu.memref_slice %arg4[%mul3A_39] : memref<1600000xf32, #tpu.memory_space<hbm>> -> memref<2560xf32, #tpu.memory_space<hbm>>
      %dma_start3A_45 = tpu.memref_slice %arg4[%mul3A_39] : memref<1600000xf32, #tpu.memory_space<hbm>> -> memref<2560xf32, #tpu.memory_space<hbm>>
      tpu.enqueue_dma source(%dma_start3A_45 : memref<2560xf32, #tpu.memory_space<hbm>>) target(%arg11 : memref<2560xf32, #tpu.memory_space<vmem>>) target_semaphore(%arg14 : memref<!tpu.dma_semaphore, #tpu.memory_space<semaphore_mem>>)
    } else {
    }
    %parallel_loop3A_28 = arith.constant 0 : i32
    %parallel_loop3A_29 = arith.constant 160 : i32
    %parallel_loop3A_30 = arith.constant 1 : i32
    scf.for %parallel_loop3A_36 = %parallel_loop3A_28 to %parallel_loop3A_29 step %parallel_loop3A_30  : i32 {
      %parallel_loop3A_37 = arith.constant 16 : i32
      %parallel_loop3A_38 = arith.muli %parallel_loop3A_36, %parallel_loop3A_37 : i32
      %parallel_loop3A_39 = arith.constant 0 : i32
      %parallel_loop3A_40 = arith.index_cast %parallel_loop3A_39 : i32 to index
      %parallel_loop3A_41 = arith.index_cast %parallel_loop3A_38 : i32 to index
      %parallel_loop3A_42 = tpu.vector_load %arg8[%parallel_loop3A_40, %parallel_loop3A_41] {strides = array<i32>} : memref<2x2560xi32, #tpu.memory_space<vmem>>, vector<16xi32>,
      %parallel_loop3A_43 = arith.constant 16 : i32
      %parallel_loop3A_44 = arith.muli %parallel_loop3A_36, %parallel_loop3A_43 : i32
      %parallel_loop3A_45 = arith.constant 1 : i32
      %parallel_loop3A_46 = arith.index_cast %parallel_loop3A_45 : i32 to index
      %parallel_loop3A_47 = arith.index_cast %parallel_loop3A_44 : i32 to index
      %parallel_loop3A_48 = tpu.vector_load %arg8[%parallel_loop3A_46, %parallel_loop3A_47] {strides = array<i32>} : memref<2x2560xi32, #tpu.memory_space<vmem>>, vector<16xi32>,
      %parallel_loop3A_49 = arith.constant 16 : i32
      %parallel_loop3A_50 = arith.muli %parallel_loop3A_36, %parallel_loop3A_49 : i32
      %parallel_loop3A_51 = arith.index_cast %parallel_loop3A_50 : i32 to index
      %parallel_loop3A_52 = tpu.vector_load %arg9[%parallel_loop3A_51] {strides = array<i32>} : memref<2560xf32, #tpu.memory_space<vmem>>, vector<16xf32>,
      %parallel_loop3A_53 = tpu.vector_load_idx %arg6[%parallel_loop3A_42] : memref<50000xf32, #tpu.memory_space<vmem>>[vector<16xi32>], vector<16xf32>,
      %parallel_loop3A_54 = tpu.vector_load_idx %arg6[%parallel_loop3A_48] : memref<50000xf32, #tpu.memory_space<vmem>>[vector<16xi32>], vector<16xf32>,
      %parallel_loop3A_55 = arith.mulf %parallel_loop3A_53, %parallel_loop3A_54 : vector<16xf32>
      %parallel_loop3A_56 = arith.mulf %parallel_loop3A_55, %parallel_loop3A_52 : vector<16xf32>
      tpu.vector_store_idx %arg7[%parallel_loop3A_42], %parallel_loop3A_56 {add = true} : memref<50000xf32, #tpu.memory_space<vmem>>[vector<16xi32>], vector<16xf32>,
    } {sc.loop_unroll_factor = 5 : i64, sc.parallel_access}
    %lt3A_31 = arith.constant 17 : i32
    %lt3A_32 = arith.cmpi slt, %add3A, %lt3A_31 : i32
    %convert_element_type3A_33 = arith.extui %lt3A_32 : i1 to i32
    %cond3A_34 = arith.constant 0 : i32
    %cond3A_35 = arith.cmpi ne, %convert_element_type3A_33, %cond3A_34 : i32
    scf.if %cond3A_35 {
      %add3A_36 = arith.constant 608 : i32
      %add3A_37 = arith.addi %add3A, %add3A_36 : i32
      %mul3A_38 = arith.constant 2560 : i32
      %mul3A_39 = arith.muli %add3A_37, %mul3A_38 : i32
      %dma_wait3A_40 = arith.constant 0 : i32
      %dma_wait3A_41 = tpu.memref_slice %arg3[%dma_wait3A_40, %mul3A_39] : memref<2x1600000xi32, #tpu.memory_space<hbm>> -> memref<2x2560xi32, #tpu.memory_space<hbm>>
      %dma_wait3A_42 = arith.constant 0 : i32
      %dma_wait3A_43 = tpu.memref_slice %arg3[%dma_wait3A_42, %mul3A_39] : memref<2x1600000xi32, #tpu.memory_space<hbm>> -> memref<2x2560xi32, #tpu.memory_space<hbm>>
      tpu.wait_dma2 semaphore(%arg14 : memref<!tpu.dma_semaphore, #tpu.memory_space<semaphore_mem>>) src(%dma_wait3A_43 : memref<2x2560xi32, #tpu.memory_space<hbm>>) dst(%arg10 : memref<2x2560xi32, #tpu.memory_space<vmem>>)
      %dma_wait3A_44 = tpu.memref_slice %arg4[%mul3A_39] : memref<1600000xf32, #tpu.memory_space<hbm>> -> memref<2560xf32, #tpu.memory_space<hbm>>
      %dma_wait3A_45 = tpu.memref_slice %arg4[%mul3A_39] : memref<1600000xf32, #tpu.memory_space<hbm>> -> memref<2560xf32, #tpu.memory_space<hbm>>
      tpu.wait_dma2 semaphore(%arg14 : memref<!tpu.dma_semaphore, #tpu.memory_space<semaphore_mem>>) src(%dma_wait3A_45 : memref<2560xf32, #tpu.memory_space<hbm>>) dst(%arg11 : memref<2560xf32, #tpu.memory_space<vmem>>)
      %parallel_loop3A_46 = arith.constant 0 : i32
      %parallel_loop3A_47 = arith.constant 160 : i32
      %parallel_loop3A_48 = arith.constant 1 : i32
      scf.for %parallel_loop3A_49 = %parallel_loop3A_46 to %parallel_loop3A_47 step %parallel_loop3A_48  : i32 {
        %parallel_loop3A_50 = arith.constant 16 : i32
        %parallel_loop3A_51 = arith.muli %parallel_loop3A_49, %parallel_loop3A_50 : i32
        %parallel_loop3A_52 = arith.constant 0 : i32
        %parallel_loop3A_53 = arith.index_cast %parallel_loop3A_52 : i32 to index
        %parallel_loop3A_54 = arith.index_cast %parallel_loop3A_51 : i32 to index
        %parallel_loop3A_55 = tpu.vector_load %arg10[%parallel_loop3A_53, %parallel_loop3A_54] {strides = array<i32>} : memref<2x2560xi32, #tpu.memory_space<vmem>>, vector<16xi32>,
        %parallel_loop3A_56 = arith.constant 16 : i32
        %parallel_loop3A_57 = arith.muli %parallel_loop3A_49, %parallel_loop3A_56 : i32
        %parallel_loop3A_58 = arith.constant 1 : i32
        %parallel_loop3A_59 = arith.index_cast %parallel_loop3A_58 : i32 to index
        %parallel_loop3A_60 = arith.index_cast %parallel_loop3A_57 : i32 to index
        %parallel_loop3A_61 = tpu.vector_load %arg10[%parallel_loop3A_59, %parallel_loop3A_60] {strides = array<i32>} : memref<2x2560xi32, #tpu.memory_space<vmem>>, vector<16xi32>,
        %parallel_loop3A_62 = arith.constant 16 : i32
        %parallel_loop3A_63 = arith.muli %parallel_loop3A_49, %parallel_loop3A_62 : i32
        %parallel_loop3A_64 = arith.index_cast %parallel_loop3A_63 : i32 to index
        %parallel_loop3A_65 = tpu.vector_load %arg11[%parallel_loop3A_64] {strides = array<i32>} : memref<2560xf32, #tpu.memory_space<vmem>>, vector<16xf32>,
        %parallel_loop3A_66 = tpu.vector_load_idx %arg6[%parallel_loop3A_55] : memref<50000xf32, #tpu.memory_space<vmem>>[vector<16xi32>], vector<16xf32>,
        %parallel_loop3A_67 = tpu.vector_load_idx %arg6[%parallel_loop3A_61] : memref<50000xf32, #tpu.memory_space<vmem>>[vector<16xi32>], vector<16xf32>,
        %parallel_loop3A_68 = arith.mulf %parallel_loop3A_66, %parallel_loop3A_67 : vector<16xf32>
        %parallel_loop3A_69 = arith.mulf %parallel_loop3A_68, %parallel_loop3A_65 : vector<16xf32>
        tpu.vector_store_idx %arg7[%parallel_loop3A_55], %parallel_loop3A_69 {add = true} : memref<50000xf32, #tpu.memory_space<vmem>>[vector<16xi32>], vector<16xf32>,
      } {sc.loop_unroll_factor = 5 : i64, sc.parallel_access}
    } else {
    }
    "tpu.region"() ({
      %run_scoped3A = tpu.sem_alloc : memref<!tpu.dma_semaphore, #tpu.memory_space<semaphore_mem>>
      %dma_start3A_36 = arith.constant 0 : i32
      %dma_start3A_37 = tpu.memref_slice %arg5[%add3A, %dma_start3A_36] : memref<32x50000xf32, #tpu.memory_space<hbm>> -> memref<1x50000xf32, #tpu.memory_space<hbm>>
      %dma_start3A_38 = tpu.memref_squeeze %dma_start3A_37 : memref<1x50000xf32, #tpu.memory_space<hbm>> -> memref<50000xf32, #tpu.memory_space<hbm>>
      %dma_start3A_39 = arith.constant 0 : i32
      %dma_start3A_40 = tpu.memref_slice %arg5[%add3A, %dma_start3A_39] : memref<32x50000xf32, #tpu.memory_space<hbm>> -> memref<1x50000xf32, #tpu.memory_space<hbm>>
      %dma_start3A_41 = tpu.memref_squeeze %dma_start3A_40 : memref<1x50000xf32, #tpu.memory_space<hbm>> -> memref<50000xf32, #tpu.memory_space<hbm>>
      tpu.enqueue_dma source(%arg7 : memref<50000xf32, #tpu.memory_space<vmem>>) target(%dma_start3A_41 : memref<50000xf32, #tpu.memory_space<hbm>>) target_semaphore(%run_scoped3A : memref<!tpu.dma_semaphore, #tpu.memory_space<semaphore_mem>>)
      %dma_wait3A_42 = arith.constant 0 : i32
      %dma_wait3A_43 = tpu.memref_slice %arg5[%add3A, %dma_wait3A_42] : memref<32x50000xf32, #tpu.memory_space<hbm>> -> memref<1x50000xf32, #tpu.memory_space<hbm>>
      %dma_wait3A_44 = tpu.memref_squeeze %dma_wait3A_43 : memref<1x50000xf32, #tpu.memory_space<hbm>> -> memref<50000xf32, #tpu.memory_space<hbm>>
      %dma_wait3A_45 = arith.constant 0 : i32
      %dma_wait3A_46 = tpu.memref_slice %arg5[%add3A, %dma_wait3A_45] : memref<32x50000xf32, #tpu.memory_space<hbm>> -> memref<1x50000xf32, #tpu.memory_space<hbm>>
      %dma_wait3A_47 = tpu.memref_squeeze %dma_wait3A_46 : memref<1x50000xf32, #tpu.memory_space<hbm>> -> memref<50000xf32, #tpu.memory_space<hbm>>
      tpu.wait_dma2 semaphore(%run_scoped3A : memref<!tpu.dma_semaphore, #tpu.memory_space<semaphore_mem>>) src(%arg7 : memref<50000xf32, #tpu.memory_space<vmem>>) dst(%dma_wait3A_47 : memref<50000xf32, #tpu.memory_space<hbm>>)
      tpu.yield
    }) : () -> ()
    return
  }
}

module attributes {stable_mosaic.version = 14 : i64} {
  func.func @_chi_body(%arg0: memref<1600000xf32, #tpu.memory_space<any>>, %arg1: memref<1600000xf32, #tpu.memory_space<any>>, %arg2: memref<160000xf32, #tpu.memory_space<vmem>>, %arg3: memref<160000xf32, #tpu.memory_space<vmem>>, %arg4: memref<160000xf32, #tpu.memory_space<vmem>>, %arg5: memref<160000xf32, #tpu.memory_space<vmem>>, %arg6: memref<!tpu.dma_semaphore, #tpu.memory_space<semaphore_mem>>, %arg7: memref<!tpu.dma_semaphore, #tpu.memory_space<semaphore_mem>>, %arg8: memref<!tpu.dma_semaphore, #tpu.memory_space<semaphore_mem>>, %arg9: memref<!tpu.dma_semaphore, #tpu.memory_space<semaphore_mem>>) attributes {dimension_semantics = [], scalar_prefetch = 0 : i64, scratch_operands = 8 : i64, tpu.core_type = #tpu.core_type<tc>} {
    %dma_start3A = arith.constant 0 : i32
    %dma_start3A_0 = tpu.memref_slice %arg0[%dma_start3A] : memref<1600000xf32, #tpu.memory_space<any>> -> memref<160000xf32, #tpu.memory_space<any>>
    tpu.enqueue_dma source(%dma_start3A_0 : memref<160000xf32, #tpu.memory_space<any>>) target(%arg2 : memref<160000xf32, #tpu.memory_space<vmem>>) target_semaphore(%arg6 : memref<!tpu.dma_semaphore, #tpu.memory_space<semaphore_mem>>)
    %dma_start3A_1 = arith.constant 160000 : i32
    %dma_start3A_2 = tpu.memref_slice %arg0[%dma_start3A_1] : memref<1600000xf32, #tpu.memory_space<any>> -> memref<160000xf32, #tpu.memory_space<any>>
    tpu.enqueue_dma source(%dma_start3A_2 : memref<160000xf32, #tpu.memory_space<any>>) target(%arg3 : memref<160000xf32, #tpu.memory_space<vmem>>) target_semaphore(%arg7 : memref<!tpu.dma_semaphore, #tpu.memory_space<semaphore_mem>>)
    %dma_wait3A = arith.constant 0 : i32
    %dma_wait3A_3 = tpu.memref_slice %arg0[%dma_wait3A] : memref<1600000xf32, #tpu.memory_space<any>> -> memref<160000xf32, #tpu.memory_space<any>>
    tpu.wait_dma2 semaphore(%arg6 : memref<!tpu.dma_semaphore, #tpu.memory_space<semaphore_mem>>) src(%dma_wait3A_3 : memref<160000xf32, #tpu.memory_space<any>>) dst(%arg2 : memref<160000xf32, #tpu.memory_space<vmem>>)
    %get3A = arith.constant 0 : index
    %get3A_4 = vector.load %arg2[%get3A] : memref<160000xf32, #tpu.memory_space<vmem>>, vector<160000xf32>
    %mul3A = arith.constant 2.000000e-01 : f32
    %mul3A_5 = vector.broadcast %mul3A : f32 to vector<160000xf32>
    %mul3A_6 = arith.mulf %get3A_4, %mul3A_5 : vector<160000xf32>
    %mul3A_7 = arith.mulf %mul3A_6, %mul3A_6 : vector<160000xf32>
    %mul3A_8 = arith.mulf %mul3A_7, %mul3A_6 : vector<160000xf32>
    %mul3A_9 = arith.mulf %mul3A_8, %mul3A_6 : vector<160000xf32>
    %mul3A_10 = arith.mulf %mul3A_9, %mul3A_6 : vector<160000xf32>
    %mul3A_11 = arith.constant 6.000000e+00 : f32
    %mul3A_12 = vector.broadcast %mul3A_11 : f32 to vector<160000xf32>
    %mul3A_13 = arith.mulf %mul3A_12, %mul3A_10 : vector<160000xf32>
    %sub3A = arith.constant 1.000000e+00 : f32
    %sub3A_14 = vector.broadcast %sub3A : f32 to vector<160000xf32>
    %sub3A_15 = arith.subf %sub3A_14, %mul3A_13 : vector<160000xf32>
    %mul3A_16 = arith.constant 1.500000e+01 : f32
    %mul3A_17 = vector.broadcast %mul3A_16 : f32 to vector<160000xf32>
    %mul3A_18 = arith.mulf %mul3A_17, %mul3A_9 : vector<160000xf32>
    %add3A = arith.addf %sub3A_15, %mul3A_18 : vector<160000xf32>
    %mul3A_19 = arith.constant 1.000000e+01 : f32
    %mul3A_20 = vector.broadcast %mul3A_19 : f32 to vector<160000xf32>
    %mul3A_21 = arith.mulf %mul3A_20, %mul3A_8 : vector<160000xf32>
    %sub3A_22 = arith.subf %add3A, %mul3A_21 : vector<160000xf32>
    %lt3A = arith.constant 5.000000e+00 : f32
    %lt3A_23 = vector.broadcast %lt3A : f32 to vector<160000xf32>
    %lt3A_24 = arith.cmpf olt, %get3A_4, %lt3A_23 : vector<160000xf32>
    %jit3A = arith.constant 0.000000e+00 : f32
    %broadcast_in_dim3A = vector.broadcast %jit3A : f32 to vector<160000xf32>
    %select_n3A = arith.select %lt3A_24, %sub3A_22, %broadcast_in_dim3A : vector<160000xi1>, vector<160000xf32>
    %mul3A_25 = arith.mulf %get3A_4, %get3A_4 : vector<160000xf32>
    %add3A_26 = arith.constant 1.000000e+00 : f32
    %add3A_27 = vector.broadcast %add3A_26 : f32 to vector<160000xf32>
    %add3A_28 = arith.addf %mul3A_25, %add3A_27 : vector<160000xf32>
    %rsqrt3A = math.rsqrt %add3A_28 : vector<160000xf32>
    %mul3A_29 = arith.mulf %select_n3A, %rsqrt3A : vector<160000xf32>
    %sub3A_30 = arith.constant 1.000000e+00 : f32
    %sub3A_31 = vector.broadcast %sub3A_30 : f32 to vector<160000xf32>
    %sub3A_32 = arith.subf %sub3A_31, %select_n3A : vector<160000xf32>
    %rsqrt3A_33 = math.rsqrt %mul3A_25 : vector<160000xf32>
    %mul3A_34 = arith.mulf %sub3A_32, %rsqrt3A_33 : vector<160000xf32>
    %add3A_35 = arith.addf %mul3A_29, %mul3A_34 : vector<160000xf32>
    %swap3A = arith.constant 0 : index
    %swap3A_36 = vector.load %arg4[%swap3A] : memref<160000xf32, #tpu.memory_space<vmem>>, vector<160000xf32>
    tpu.vector_store %arg4[%swap3A], %add3A_35 {strides = array<i32>} : memref<160000xf32, #tpu.memory_space<vmem>>, vector<160000xf32>,
    %dma_start3A_37 = arith.constant 0 : i32
    %dma_start3A_38 = tpu.memref_slice %arg1[%dma_start3A_37] : memref<1600000xf32, #tpu.memory_space<any>> -> memref<160000xf32, #tpu.memory_space<any>>
    tpu.enqueue_dma source(%arg4 : memref<160000xf32, #tpu.memory_space<vmem>>) target(%dma_start3A_38 : memref<160000xf32, #tpu.memory_space<any>>) target_semaphore(%arg8 : memref<!tpu.dma_semaphore, #tpu.memory_space<semaphore_mem>>)
    %dma_start3A_39 = arith.constant 320000 : i32
    %dma_start3A_40 = tpu.memref_slice %arg0[%dma_start3A_39] : memref<1600000xf32, #tpu.memory_space<any>> -> memref<160000xf32, #tpu.memory_space<any>>
    tpu.enqueue_dma source(%dma_start3A_40 : memref<160000xf32, #tpu.memory_space<any>>) target(%arg2 : memref<160000xf32, #tpu.memory_space<vmem>>) target_semaphore(%arg6 : memref<!tpu.dma_semaphore, #tpu.memory_space<semaphore_mem>>)
    %dma_wait3A_41 = arith.constant 160000 : i32
    %dma_wait3A_42 = tpu.memref_slice %arg0[%dma_wait3A_41] : memref<1600000xf32, #tpu.memory_space<any>> -> memref<160000xf32, #tpu.memory_space<any>>
    tpu.wait_dma2 semaphore(%arg7 : memref<!tpu.dma_semaphore, #tpu.memory_space<semaphore_mem>>) src(%dma_wait3A_42 : memref<160000xf32, #tpu.memory_space<any>>) dst(%arg3 : memref<160000xf32, #tpu.memory_space<vmem>>)
    %get3A_43 = arith.constant 0 : index
    %get3A_44 = vector.load %arg3[%get3A_43] : memref<160000xf32, #tpu.memory_space<vmem>>, vector<160000xf32>
    %mul3A_45 = arith.constant 2.000000e-01 : f32
    %mul3A_46 = vector.broadcast %mul3A_45 : f32 to vector<160000xf32>
    %mul3A_47 = arith.mulf %get3A_44, %mul3A_46 : vector<160000xf32>
    %mul3A_48 = arith.mulf %mul3A_47, %mul3A_47 : vector<160000xf32>
    %mul3A_49 = arith.mulf %mul3A_48, %mul3A_47 : vector<160000xf32>
    %mul3A_50 = arith.mulf %mul3A_49, %mul3A_47 : vector<160000xf32>
    %mul3A_51 = arith.mulf %mul3A_50, %mul3A_47 : vector<160000xf32>
    %mul3A_52 = arith.constant 6.000000e+00 : f32
    %mul3A_53 = vector.broadcast %mul3A_52 : f32 to vector<160000xf32>
    %mul3A_54 = arith.mulf %mul3A_53, %mul3A_51 : vector<160000xf32>
    %sub3A_55 = arith.constant 1.000000e+00 : f32
    %sub3A_56 = vector.broadcast %sub3A_55 : f32 to vector<160000xf32>
    %sub3A_57 = arith.subf %sub3A_56, %mul3A_54 : vector<160000xf32>
    %mul3A_58 = arith.constant 1.500000e+01 : f32
    %mul3A_59 = vector.broadcast %mul3A_58 : f32 to vector<160000xf32>
    %mul3A_60 = arith.mulf %mul3A_59, %mul3A_50 : vector<160000xf32>
    %add3A_61 = arith.addf %sub3A_57, %mul3A_60 : vector<160000xf32>
    %mul3A_62 = arith.constant 1.000000e+01 : f32
    %mul3A_63 = vector.broadcast %mul3A_62 : f32 to vector<160000xf32>
    %mul3A_64 = arith.mulf %mul3A_63, %mul3A_49 : vector<160000xf32>
    %sub3A_65 = arith.subf %add3A_61, %mul3A_64 : vector<160000xf32>
    %lt3A_66 = arith.constant 5.000000e+00 : f32
    %lt3A_67 = vector.broadcast %lt3A_66 : f32 to vector<160000xf32>
    %lt3A_68 = arith.cmpf olt, %get3A_44, %lt3A_67 : vector<160000xf32>
    %jit3A_69 = arith.constant 0.000000e+00 : f32
    %broadcast_in_dim3A_70 = vector.broadcast %jit3A_69 : f32 to vector<160000xf32>
    %select_n3A_71 = arith.select %lt3A_68, %sub3A_65, %broadcast_in_dim3A_70 : vector<160000xi1>, vector<160000xf32>
    %mul3A_72 = arith.mulf %get3A_44, %get3A_44 : vector<160000xf32>
    %add3A_73 = arith.constant 1.000000e+00 : f32
    %add3A_74 = vector.broadcast %add3A_73 : f32 to vector<160000xf32>
    %add3A_75 = arith.addf %mul3A_72, %add3A_74 : vector<160000xf32>
    %rsqrt3A_76 = math.rsqrt %add3A_75 : vector<160000xf32>
    %mul3A_77 = arith.mulf %select_n3A_71, %rsqrt3A_76 : vector<160000xf32>
    %sub3A_78 = arith.constant 1.000000e+00 : f32
    %sub3A_79 = vector.broadcast %sub3A_78 : f32 to vector<160000xf32>
    %sub3A_80 = arith.subf %sub3A_79, %select_n3A_71 : vector<160000xf32>
    %rsqrt3A_81 = math.rsqrt %mul3A_72 : vector<160000xf32>
    %mul3A_82 = arith.mulf %sub3A_80, %rsqrt3A_81 : vector<160000xf32>
    %add3A_83 = arith.addf %mul3A_77, %mul3A_82 : vector<160000xf32>
    %swap3A_84 = arith.constant 0 : index
    %swap3A_85 = vector.load %arg5[%swap3A_84] : memref<160000xf32, #tpu.memory_space<vmem>>, vector<160000xf32>
    tpu.vector_store %arg5[%swap3A_84], %add3A_83 {strides = array<i32>} : memref<160000xf32, #tpu.memory_space<vmem>>, vector<160000xf32>,
    %dma_start3A_86 = arith.constant 160000 : i32
    %dma_start3A_87 = tpu.memref_slice %arg1[%dma_start3A_86] : memref<1600000xf32, #tpu.memory_space<any>> -> memref<160000xf32, #tpu.memory_space<any>>
    tpu.enqueue_dma source(%arg5 : memref<160000xf32, #tpu.memory_space<vmem>>) target(%dma_start3A_87 : memref<160000xf32, #tpu.memory_space<any>>) target_semaphore(%arg9 : memref<!tpu.dma_semaphore, #tpu.memory_space<semaphore_mem>>)
    %dma_start3A_88 = arith.constant 480000 : i32
    %dma_start3A_89 = tpu.memref_slice %arg0[%dma_start3A_88] : memref<1600000xf32, #tpu.memory_space<any>> -> memref<160000xf32, #tpu.memory_space<any>>
    tpu.enqueue_dma source(%dma_start3A_89 : memref<160000xf32, #tpu.memory_space<any>>) target(%arg3 : memref<160000xf32, #tpu.memory_space<vmem>>) target_semaphore(%arg7 : memref<!tpu.dma_semaphore, #tpu.memory_space<semaphore_mem>>)
    %dma_wait3A_90 = arith.constant 320000 : i32
    %dma_wait3A_91 = tpu.memref_slice %arg0[%dma_wait3A_90] : memref<1600000xf32, #tpu.memory_space<any>> -> memref<160000xf32, #tpu.memory_space<any>>
    tpu.wait_dma2 semaphore(%arg6 : memref<!tpu.dma_semaphore, #tpu.memory_space<semaphore_mem>>) src(%dma_wait3A_91 : memref<160000xf32, #tpu.memory_space<any>>) dst(%arg2 : memref<160000xf32, #tpu.memory_space<vmem>>)
    %dma_wait3A_92 = arith.constant 0 : i32
    %dma_wait3A_93 = tpu.memref_slice %arg1[%dma_wait3A_92] : memref<1600000xf32, #tpu.memory_space<any>> -> memref<160000xf32, #tpu.memory_space<any>>
    tpu.wait_dma2 semaphore(%arg8 : memref<!tpu.dma_semaphore, #tpu.memory_space<semaphore_mem>>) src(%arg4 : memref<160000xf32, #tpu.memory_space<vmem>>) dst(%dma_wait3A_93 : memref<160000xf32, #tpu.memory_space<any>>)
    %get3A_94 = arith.constant 0 : index
    %get3A_95 = vector.load %arg2[%get3A_94] : memref<160000xf32, #tpu.memory_space<vmem>>, vector<160000xf32>
    %mul3A_96 = arith.constant 2.000000e-01 : f32
    %mul3A_97 = vector.broadcast %mul3A_96 : f32 to vector<160000xf32>
    %mul3A_98 = arith.mulf %get3A_95, %mul3A_97 : vector<160000xf32>
    %mul3A_99 = arith.mulf %mul3A_98, %mul3A_98 : vector<160000xf32>
    %mul3A_100 = arith.mulf %mul3A_99, %mul3A_98 : vector<160000xf32>
    %mul3A_101 = arith.mulf %mul3A_100, %mul3A_98 : vector<160000xf32>
    %mul3A_102 = arith.mulf %mul3A_101, %mul3A_98 : vector<160000xf32>
    %mul3A_103 = arith.constant 6.000000e+00 : f32
    %mul3A_104 = vector.broadcast %mul3A_103 : f32 to vector<160000xf32>
    %mul3A_105 = arith.mulf %mul3A_104, %mul3A_102 : vector<160000xf32>
    %sub3A_106 = arith.constant 1.000000e+00 : f32
    %sub3A_107 = vector.broadcast %sub3A_106 : f32 to vector<160000xf32>
    %sub3A_108 = arith.subf %sub3A_107, %mul3A_105 : vector<160000xf32>
    %mul3A_109 = arith.constant 1.500000e+01 : f32
    %mul3A_110 = vector.broadcast %mul3A_109 : f32 to vector<160000xf32>
    %mul3A_111 = arith.mulf %mul3A_110, %mul3A_101 : vector<160000xf32>
    %add3A_112 = arith.addf %sub3A_108, %mul3A_111 : vector<160000xf32>
    %mul3A_113 = arith.constant 1.000000e+01 : f32
    %mul3A_114 = vector.broadcast %mul3A_113 : f32 to vector<160000xf32>
    %mul3A_115 = arith.mulf %mul3A_114, %mul3A_100 : vector<160000xf32>
    %sub3A_116 = arith.subf %add3A_112, %mul3A_115 : vector<160000xf32>
    %lt3A_117 = arith.constant 5.000000e+00 : f32
    %lt3A_118 = vector.broadcast %lt3A_117 : f32 to vector<160000xf32>
    %lt3A_119 = arith.cmpf olt, %get3A_95, %lt3A_118 : vector<160000xf32>
    %jit3A_120 = arith.constant 0.000000e+00 : f32
    %broadcast_in_dim3A_121 = vector.broadcast %jit3A_120 : f32 to vector<160000xf32>
    %select_n3A_122 = arith.select %lt3A_119, %sub3A_116, %broadcast_in_dim3A_121 : vector<160000xi1>, vector<160000xf32>
    %mul3A_123 = arith.mulf %get3A_95, %get3A_95 : vector<160000xf32>
    %add3A_124 = arith.constant 1.000000e+00 : f32
    %add3A_125 = vector.broadcast %add3A_124 : f32 to vector<160000xf32>
    %add3A_126 = arith.addf %mul3A_123, %add3A_125 : vector<160000xf32>
    %rsqrt3A_127 = math.rsqrt %add3A_126 : vector<160000xf32>
    %mul3A_128 = arith.mulf %select_n3A_122, %rsqrt3A_127 : vector<160000xf32>
    %sub3A_129 = arith.constant 1.000000e+00 : f32
    %sub3A_130 = vector.broadcast %sub3A_129 : f32 to vector<160000xf32>
    %sub3A_131 = arith.subf %sub3A_130, %select_n3A_122 : vector<160000xf32>
    %rsqrt3A_132 = math.rsqrt %mul3A_123 : vector<160000xf32>
    %mul3A_133 = arith.mulf %sub3A_131, %rsqrt3A_132 : vector<160000xf32>
    %add3A_134 = arith.addf %mul3A_128, %mul3A_133 : vector<160000xf32>
    %swap3A_135 = arith.constant 0 : index
    %swap3A_136 = vector.load %arg4[%swap3A_135] : memref<160000xf32, #tpu.memory_space<vmem>>, vector<160000xf32>
    tpu.vector_store %arg4[%swap3A_135], %add3A_134 {strides = array<i32>} : memref<160000xf32, #tpu.memory_space<vmem>>, vector<160000xf32>,
    %dma_start3A_137 = arith.constant 320000 : i32
    %dma_start3A_138 = tpu.memref_slice %arg1[%dma_start3A_137] : memref<1600000xf32, #tpu.memory_space<any>> -> memref<160000xf32, #tpu.memory_space<any>>
    tpu.enqueue_dma source(%arg4 : memref<160000xf32, #tpu.memory_space<vmem>>) target(%dma_start3A_138 : memref<160000xf32, #tpu.memory_space<any>>) target_semaphore(%arg8 : memref<!tpu.dma_semaphore, #tpu.memory_space<semaphore_mem>>)
    %dma_start3A_139 = arith.constant 640000 : i32
    %dma_start3A_140 = tpu.memref_slice %arg0[%dma_start3A_139] : memref<1600000xf32, #tpu.memory_space<any>> -> memref<160000xf32, #tpu.memory_space<any>>
    tpu.enqueue_dma source(%dma_start3A_140 : memref<160000xf32, #tpu.memory_space<any>>) target(%arg2 : memref<160000xf32, #tpu.memory_space<vmem>>) target_semaphore(%arg6 : memref<!tpu.dma_semaphore, #tpu.memory_space<semaphore_mem>>)
    %dma_wait3A_141 = arith.constant 480000 : i32
    %dma_wait3A_142 = tpu.memref_slice %arg0[%dma_wait3A_141] : memref<1600000xf32, #tpu.memory_space<any>> -> memref<160000xf32, #tpu.memory_space<any>>
    tpu.wait_dma2 semaphore(%arg7 : memref<!tpu.dma_semaphore, #tpu.memory_space<semaphore_mem>>) src(%dma_wait3A_142 : memref<160000xf32, #tpu.memory_space<any>>) dst(%arg3 : memref<160000xf32, #tpu.memory_space<vmem>>)
    %dma_wait3A_143 = arith.constant 160000 : i32
    %dma_wait3A_144 = tpu.memref_slice %arg1[%dma_wait3A_143] : memref<1600000xf32, #tpu.memory_space<any>> -> memref<160000xf32, #tpu.memory_space<any>>
    tpu.wait_dma2 semaphore(%arg9 : memref<!tpu.dma_semaphore, #tpu.memory_space<semaphore_mem>>) src(%arg5 : memref<160000xf32, #tpu.memory_space<vmem>>) dst(%dma_wait3A_144 : memref<160000xf32, #tpu.memory_space<any>>)
    %get3A_145 = arith.constant 0 : index
    %get3A_146 = vector.load %arg3[%get3A_145] : memref<160000xf32, #tpu.memory_space<vmem>>, vector<160000xf32>
    %mul3A_147 = arith.constant 2.000000e-01 : f32
    %mul3A_148 = vector.broadcast %mul3A_147 : f32 to vector<160000xf32>
    %mul3A_149 = arith.mulf %get3A_146, %mul3A_148 : vector<160000xf32>
    %mul3A_150 = arith.mulf %mul3A_149, %mul3A_149 : vector<160000xf32>
    %mul3A_151 = arith.mulf %mul3A_150, %mul3A_149 : vector<160000xf32>
    %mul3A_152 = arith.mulf %mul3A_151, %mul3A_149 : vector<160000xf32>
    %mul3A_153 = arith.mulf %mul3A_152, %mul3A_149 : vector<160000xf32>
    %mul3A_154 = arith.constant 6.000000e+00 : f32
    %mul3A_155 = vector.broadcast %mul3A_154 : f32 to vector<160000xf32>
    %mul3A_156 = arith.mulf %mul3A_155, %mul3A_153 : vector<160000xf32>
    %sub3A_157 = arith.constant 1.000000e+00 : f32
    %sub3A_158 = vector.broadcast %sub3A_157 : f32 to vector<160000xf32>
    %sub3A_159 = arith.subf %sub3A_158, %mul3A_156 : vector<160000xf32>
    %mul3A_160 = arith.constant 1.500000e+01 : f32
    %mul3A_161 = vector.broadcast %mul3A_160 : f32 to vector<160000xf32>
    %mul3A_162 = arith.mulf %mul3A_161, %mul3A_152 : vector<160000xf32>
    %add3A_163 = arith.addf %sub3A_159, %mul3A_162 : vector<160000xf32>
    %mul3A_164 = arith.constant 1.000000e+01 : f32
    %mul3A_165 = vector.broadcast %mul3A_164 : f32 to vector<160000xf32>
    %mul3A_166 = arith.mulf %mul3A_165, %mul3A_151 : vector<160000xf32>
    %sub3A_167 = arith.subf %add3A_163, %mul3A_166 : vector<160000xf32>
    %lt3A_168 = arith.constant 5.000000e+00 : f32
    %lt3A_169 = vector.broadcast %lt3A_168 : f32 to vector<160000xf32>
    %lt3A_170 = arith.cmpf olt, %get3A_146, %lt3A_169 : vector<160000xf32>
    %jit3A_171 = arith.constant 0.000000e+00 : f32
    %broadcast_in_dim3A_172 = vector.broadcast %jit3A_171 : f32 to vector<160000xf32>
    %select_n3A_173 = arith.select %lt3A_170, %sub3A_167, %broadcast_in_dim3A_172 : vector<160000xi1>, vector<160000xf32>
    %mul3A_174 = arith.mulf %get3A_146, %get3A_146 : vector<160000xf32>
    %add3A_175 = arith.constant 1.000000e+00 : f32
    %add3A_176 = vector.broadcast %add3A_175 : f32 to vector<160000xf32>
    %add3A_177 = arith.addf %mul3A_174, %add3A_176 : vector<160000xf32>
    %rsqrt3A_178 = math.rsqrt %add3A_177 : vector<160000xf32>
    %mul3A_179 = arith.mulf %select_n3A_173, %rsqrt3A_178 : vector<160000xf32>
    %sub3A_180 = arith.constant 1.000000e+00 : f32
    %sub3A_181 = vector.broadcast %sub3A_180 : f32 to vector<160000xf32>
    %sub3A_182 = arith.subf %sub3A_181, %select_n3A_173 : vector<160000xf32>
    %rsqrt3A_183 = math.rsqrt %mul3A_174 : vector<160000xf32>
    %mul3A_184 = arith.mulf %sub3A_182, %rsqrt3A_183 : vector<160000xf32>
    %add3A_185 = arith.addf %mul3A_179, %mul3A_184 : vector<160000xf32>
    %swap3A_186 = arith.constant 0 : index
    %swap3A_187 = vector.load %arg5[%swap3A_186] : memref<160000xf32, #tpu.memory_space<vmem>>, vector<160000xf32>
    tpu.vector_store %arg5[%swap3A_186], %add3A_185 {strides = array<i32>} : memref<160000xf32, #tpu.memory_space<vmem>>, vector<160000xf32>,
    %dma_start3A_188 = arith.constant 480000 : i32
    %dma_start3A_189 = tpu.memref_slice %arg1[%dma_start3A_188] : memref<1600000xf32, #tpu.memory_space<any>> -> memref<160000xf32, #tpu.memory_space<any>>
    tpu.enqueue_dma source(%arg5 : memref<160000xf32, #tpu.memory_space<vmem>>) target(%dma_start3A_189 : memref<160000xf32, #tpu.memory_space<any>>) target_semaphore(%arg9 : memref<!tpu.dma_semaphore, #tpu.memory_space<semaphore_mem>>)
    %dma_start3A_190 = arith.constant 800000 : i32
    %dma_start3A_191 = tpu.memref_slice %arg0[%dma_start3A_190] : memref<1600000xf32, #tpu.memory_space<any>> -> memref<160000xf32, #tpu.memory_space<any>>
    tpu.enqueue_dma source(%dma_start3A_191 : memref<160000xf32, #tpu.memory_space<any>>) target(%arg3 : memref<160000xf32, #tpu.memory_space<vmem>>) target_semaphore(%arg7 : memref<!tpu.dma_semaphore, #tpu.memory_space<semaphore_mem>>)
    %dma_wait3A_192 = arith.constant 640000 : i32
    %dma_wait3A_193 = tpu.memref_slice %arg0[%dma_wait3A_192] : memref<1600000xf32, #tpu.memory_space<any>> -> memref<160000xf32, #tpu.memory_space<any>>
    tpu.wait_dma2 semaphore(%arg6 : memref<!tpu.dma_semaphore, #tpu.memory_space<semaphore_mem>>) src(%dma_wait3A_193 : memref<160000xf32, #tpu.memory_space<any>>) dst(%arg2 : memref<160000xf32, #tpu.memory_space<vmem>>)
    %dma_wait3A_194 = arith.constant 320000 : i32
    %dma_wait3A_195 = tpu.memref_slice %arg1[%dma_wait3A_194] : memref<1600000xf32, #tpu.memory_space<any>> -> memref<160000xf32, #tpu.memory_space<any>>
    tpu.wait_dma2 semaphore(%arg8 : memref<!tpu.dma_semaphore, #tpu.memory_space<semaphore_mem>>) src(%arg4 : memref<160000xf32, #tpu.memory_space<vmem>>) dst(%dma_wait3A_195 : memref<160000xf32, #tpu.memory_space<any>>)
    %get3A_196 = arith.constant 0 : index
    %get3A_197 = vector.load %arg2[%get3A_196] : memref<160000xf32, #tpu.memory_space<vmem>>, vector<160000xf32>
    %mul3A_198 = arith.constant 2.000000e-01 : f32
    %mul3A_199 = vector.broadcast %mul3A_198 : f32 to vector<160000xf32>
    %mul3A_200 = arith.mulf %get3A_197, %mul3A_199 : vector<160000xf32>
    %mul3A_201 = arith.mulf %mul3A_200, %mul3A_200 : vector<160000xf32>
    %mul3A_202 = arith.mulf %mul3A_201, %mul3A_200 : vector<160000xf32>
    %mul3A_203 = arith.mulf %mul3A_202, %mul3A_200 : vector<160000xf32>
    %mul3A_204 = arith.mulf %mul3A_203, %mul3A_200 : vector<160000xf32>
    %mul3A_205 = arith.constant 6.000000e+00 : f32
    %mul3A_206 = vector.broadcast %mul3A_205 : f32 to vector<160000xf32>
    %mul3A_207 = arith.mulf %mul3A_206, %mul3A_204 : vector<160000xf32>
    %sub3A_208 = arith.constant 1.000000e+00 : f32
    %sub3A_209 = vector.broadcast %sub3A_208 : f32 to vector<160000xf32>
    %sub3A_210 = arith.subf %sub3A_209, %mul3A_207 : vector<160000xf32>
    %mul3A_211 = arith.constant 1.500000e+01 : f32
    %mul3A_212 = vector.broadcast %mul3A_211 : f32 to vector<160000xf32>
    %mul3A_213 = arith.mulf %mul3A_212, %mul3A_203 : vector<160000xf32>
    %add3A_214 = arith.addf %sub3A_210, %mul3A_213 : vector<160000xf32>
    %mul3A_215 = arith.constant 1.000000e+01 : f32
    %mul3A_216 = vector.broadcast %mul3A_215 : f32 to vector<160000xf32>
    %mul3A_217 = arith.mulf %mul3A_216, %mul3A_202 : vector<160000xf32>
    %sub3A_218 = arith.subf %add3A_214, %mul3A_217 : vector<160000xf32>
    %lt3A_219 = arith.constant 5.000000e+00 : f32
    %lt3A_220 = vector.broadcast %lt3A_219 : f32 to vector<160000xf32>
    %lt3A_221 = arith.cmpf olt, %get3A_197, %lt3A_220 : vector<160000xf32>
    %jit3A_222 = arith.constant 0.000000e+00 : f32
    %broadcast_in_dim3A_223 = vector.broadcast %jit3A_222 : f32 to vector<160000xf32>
    %select_n3A_224 = arith.select %lt3A_221, %sub3A_218, %broadcast_in_dim3A_223 : vector<160000xi1>, vector<160000xf32>
    %mul3A_225 = arith.mulf %get3A_197, %get3A_197 : vector<160000xf32>
    %add3A_226 = arith.constant 1.000000e+00 : f32
    %add3A_227 = vector.broadcast %add3A_226 : f32 to vector<160000xf32>
    %add3A_228 = arith.addf %mul3A_225, %add3A_227 : vector<160000xf32>
    %rsqrt3A_229 = math.rsqrt %add3A_228 : vector<160000xf32>
    %mul3A_230 = arith.mulf %select_n3A_224, %rsqrt3A_229 : vector<160000xf32>
    %sub3A_231 = arith.constant 1.000000e+00 : f32
    %sub3A_232 = vector.broadcast %sub3A_231 : f32 to vector<160000xf32>
    %sub3A_233 = arith.subf %sub3A_232, %select_n3A_224 : vector<160000xf32>
    %rsqrt3A_234 = math.rsqrt %mul3A_225 : vector<160000xf32>
    %mul3A_235 = arith.mulf %sub3A_233, %rsqrt3A_234 : vector<160000xf32>
    %add3A_236 = arith.addf %mul3A_230, %mul3A_235 : vector<160000xf32>
    %swap3A_237 = arith.constant 0 : index
    %swap3A_238 = vector.load %arg4[%swap3A_237] : memref<160000xf32, #tpu.memory_space<vmem>>, vector<160000xf32>
    tpu.vector_store %arg4[%swap3A_237], %add3A_236 {strides = array<i32>} : memref<160000xf32, #tpu.memory_space<vmem>>, vector<160000xf32>,
    %dma_start3A_239 = arith.constant 640000 : i32
    %dma_start3A_240 = tpu.memref_slice %arg1[%dma_start3A_239] : memref<1600000xf32, #tpu.memory_space<any>> -> memref<160000xf32, #tpu.memory_space<any>>
    tpu.enqueue_dma source(%arg4 : memref<160000xf32, #tpu.memory_space<vmem>>) target(%dma_start3A_240 : memref<160000xf32, #tpu.memory_space<any>>) target_semaphore(%arg8 : memref<!tpu.dma_semaphore, #tpu.memory_space<semaphore_mem>>)
    %dma_start3A_241 = arith.constant 960000 : i32
    %dma_start3A_242 = tpu.memref_slice %arg0[%dma_start3A_241] : memref<1600000xf32, #tpu.memory_space<any>> -> memref<160000xf32, #tpu.memory_space<any>>
    tpu.enqueue_dma source(%dma_start3A_242 : memref<160000xf32, #tpu.memory_space<any>>) target(%arg2 : memref<160000xf32, #tpu.memory_space<vmem>>) target_semaphore(%arg6 : memref<!tpu.dma_semaphore, #tpu.memory_space<semaphore_mem>>)
    %dma_wait3A_243 = arith.constant 800000 : i32
    %dma_wait3A_244 = tpu.memref_slice %arg0[%dma_wait3A_243] : memref<1600000xf32, #tpu.memory_space<any>> -> memref<160000xf32, #tpu.memory_space<any>>
    tpu.wait_dma2 semaphore(%arg7 : memref<!tpu.dma_semaphore, #tpu.memory_space<semaphore_mem>>) src(%dma_wait3A_244 : memref<160000xf32, #tpu.memory_space<any>>) dst(%arg3 : memref<160000xf32, #tpu.memory_space<vmem>>)
    %dma_wait3A_245 = arith.constant 480000 : i32
    %dma_wait3A_246 = tpu.memref_slice %arg1[%dma_wait3A_245] : memref<1600000xf32, #tpu.memory_space<any>> -> memref<160000xf32, #tpu.memory_space<any>>
    tpu.wait_dma2 semaphore(%arg9 : memref<!tpu.dma_semaphore, #tpu.memory_space<semaphore_mem>>) src(%arg5 : memref<160000xf32, #tpu.memory_space<vmem>>) dst(%dma_wait3A_246 : memref<160000xf32, #tpu.memory_space<any>>)
    %get3A_247 = arith.constant 0 : index
    %get3A_248 = vector.load %arg3[%get3A_247] : memref<160000xf32, #tpu.memory_space<vmem>>, vector<160000xf32>
    %mul3A_249 = arith.constant 2.000000e-01 : f32
    %mul3A_250 = vector.broadcast %mul3A_249 : f32 to vector<160000xf32>
    %mul3A_251 = arith.mulf %get3A_248, %mul3A_250 : vector<160000xf32>
    %mul3A_252 = arith.mulf %mul3A_251, %mul3A_251 : vector<160000xf32>
    %mul3A_253 = arith.mulf %mul3A_252, %mul3A_251 : vector<160000xf32>
    %mul3A_254 = arith.mulf %mul3A_253, %mul3A_251 : vector<160000xf32>
    %mul3A_255 = arith.mulf %mul3A_254, %mul3A_251 : vector<160000xf32>
    %mul3A_256 = arith.constant 6.000000e+00 : f32
    %mul3A_257 = vector.broadcast %mul3A_256 : f32 to vector<160000xf32>
    %mul3A_258 = arith.mulf %mul3A_257, %mul3A_255 : vector<160000xf32>
    %sub3A_259 = arith.constant 1.000000e+00 : f32
    %sub3A_260 = vector.broadcast %sub3A_259 : f32 to vector<160000xf32>
    %sub3A_261 = arith.subf %sub3A_260, %mul3A_258 : vector<160000xf32>
    %mul3A_262 = arith.constant 1.500000e+01 : f32
    %mul3A_263 = vector.broadcast %mul3A_262 : f32 to vector<160000xf32>
    %mul3A_264 = arith.mulf %mul3A_263, %mul3A_254 : vector<160000xf32>
    %add3A_265 = arith.addf %sub3A_261, %mul3A_264 : vector<160000xf32>
    %mul3A_266 = arith.constant 1.000000e+01 : f32
    %mul3A_267 = vector.broadcast %mul3A_266 : f32 to vector<160000xf32>
    %mul3A_268 = arith.mulf %mul3A_267, %mul3A_253 : vector<160000xf32>
    %sub3A_269 = arith.subf %add3A_265, %mul3A_268 : vector<160000xf32>
    %lt3A_270 = arith.constant 5.000000e+00 : f32
    %lt3A_271 = vector.broadcast %lt3A_270 : f32 to vector<160000xf32>
    %lt3A_272 = arith.cmpf olt, %get3A_248, %lt3A_271 : vector<160000xf32>
    %jit3A_273 = arith.constant 0.000000e+00 : f32
    %broadcast_in_dim3A_274 = vector.broadcast %jit3A_273 : f32 to vector<160000xf32>
    %select_n3A_275 = arith.select %lt3A_272, %sub3A_269, %broadcast_in_dim3A_274 : vector<160000xi1>, vector<160000xf32>
    %mul3A_276 = arith.mulf %get3A_248, %get3A_248 : vector<160000xf32>
    %add3A_277 = arith.constant 1.000000e+00 : f32
    %add3A_278 = vector.broadcast %add3A_277 : f32 to vector<160000xf32>
    %add3A_279 = arith.addf %mul3A_276, %add3A_278 : vector<160000xf32>
    %rsqrt3A_280 = math.rsqrt %add3A_279 : vector<160000xf32>
    %mul3A_281 = arith.mulf %select_n3A_275, %rsqrt3A_280 : vector<160000xf32>
    %sub3A_282 = arith.constant 1.000000e+00 : f32
    %sub3A_283 = vector.broadcast %sub3A_282 : f32 to vector<160000xf32>
    %sub3A_284 = arith.subf %sub3A_283, %select_n3A_275 : vector<160000xf32>
    %rsqrt3A_285 = math.rsqrt %mul3A_276 : vector<160000xf32>
    %mul3A_286 = arith.mulf %sub3A_284, %rsqrt3A_285 : vector<160000xf32>
    %add3A_287 = arith.addf %mul3A_281, %mul3A_286 : vector<160000xf32>
    %swap3A_288 = arith.constant 0 : index
    %swap3A_289 = vector.load %arg5[%swap3A_288] : memref<160000xf32, #tpu.memory_space<vmem>>, vector<160000xf32>
    tpu.vector_store %arg5[%swap3A_288], %add3A_287 {strides = array<i32>} : memref<160000xf32, #tpu.memory_space<vmem>>, vector<160000xf32>,
    %dma_start3A_290 = arith.constant 800000 : i32
    %dma_start3A_291 = tpu.memref_slice %arg1[%dma_start3A_290] : memref<1600000xf32, #tpu.memory_space<any>> -> memref<160000xf32, #tpu.memory_space<any>>
    tpu.enqueue_dma source(%arg5 : memref<160000xf32, #tpu.memory_space<vmem>>) target(%dma_start3A_291 : memref<160000xf32, #tpu.memory_space<any>>) target_semaphore(%arg9 : memref<!tpu.dma_semaphore, #tpu.memory_space<semaphore_mem>>)
    %dma_start3A_292 = arith.constant 1120000 : i32
    %dma_start3A_293 = tpu.memref_slice %arg0[%dma_start3A_292] : memref<1600000xf32, #tpu.memory_space<any>> -> memref<160000xf32, #tpu.memory_space<any>>
    tpu.enqueue_dma source(%dma_start3A_293 : memref<160000xf32, #tpu.memory_space<any>>) target(%arg3 : memref<160000xf32, #tpu.memory_space<vmem>>) target_semaphore(%arg7 : memref<!tpu.dma_semaphore, #tpu.memory_space<semaphore_mem>>)
    %dma_wait3A_294 = arith.constant 960000 : i32
    %dma_wait3A_295 = tpu.memref_slice %arg0[%dma_wait3A_294] : memref<1600000xf32, #tpu.memory_space<any>> -> memref<160000xf32, #tpu.memory_space<any>>
    tpu.wait_dma2 semaphore(%arg6 : memref<!tpu.dma_semaphore, #tpu.memory_space<semaphore_mem>>) src(%dma_wait3A_295 : memref<160000xf32, #tpu.memory_space<any>>) dst(%arg2 : memref<160000xf32, #tpu.memory_space<vmem>>)
    %dma_wait3A_296 = arith.constant 640000 : i32
    %dma_wait3A_297 = tpu.memref_slice %arg1[%dma_wait3A_296] : memref<1600000xf32, #tpu.memory_space<any>> -> memref<160000xf32, #tpu.memory_space<any>>
    tpu.wait_dma2 semaphore(%arg8 : memref<!tpu.dma_semaphore, #tpu.memory_space<semaphore_mem>>) src(%arg4 : memref<160000xf32, #tpu.memory_space<vmem>>) dst(%dma_wait3A_297 : memref<160000xf32, #tpu.memory_space<any>>)
    %get3A_298 = arith.constant 0 : index
    %get3A_299 = vector.load %arg2[%get3A_298] : memref<160000xf32, #tpu.memory_space<vmem>>, vector<160000xf32>
    %mul3A_300 = arith.constant 2.000000e-01 : f32
    %mul3A_301 = vector.broadcast %mul3A_300 : f32 to vector<160000xf32>
    %mul3A_302 = arith.mulf %get3A_299, %mul3A_301 : vector<160000xf32>
    %mul3A_303 = arith.mulf %mul3A_302, %mul3A_302 : vector<160000xf32>
    %mul3A_304 = arith.mulf %mul3A_303, %mul3A_302 : vector<160000xf32>
    %mul3A_305 = arith.mulf %mul3A_304, %mul3A_302 : vector<160000xf32>
    %mul3A_306 = arith.mulf %mul3A_305, %mul3A_302 : vector<160000xf32>
    %mul3A_307 = arith.constant 6.000000e+00 : f32
    %mul3A_308 = vector.broadcast %mul3A_307 : f32 to vector<160000xf32>
    %mul3A_309 = arith.mulf %mul3A_308, %mul3A_306 : vector<160000xf32>
    %sub3A_310 = arith.constant 1.000000e+00 : f32
    %sub3A_311 = vector.broadcast %sub3A_310 : f32 to vector<160000xf32>
    %sub3A_312 = arith.subf %sub3A_311, %mul3A_309 : vector<160000xf32>
    %mul3A_313 = arith.constant 1.500000e+01 : f32
    %mul3A_314 = vector.broadcast %mul3A_313 : f32 to vector<160000xf32>
    %mul3A_315 = arith.mulf %mul3A_314, %mul3A_305 : vector<160000xf32>
    %add3A_316 = arith.addf %sub3A_312, %mul3A_315 : vector<160000xf32>
    %mul3A_317 = arith.constant 1.000000e+01 : f32
    %mul3A_318 = vector.broadcast %mul3A_317 : f32 to vector<160000xf32>
    %mul3A_319 = arith.mulf %mul3A_318, %mul3A_304 : vector<160000xf32>
    %sub3A_320 = arith.subf %add3A_316, %mul3A_319 : vector<160000xf32>
    %lt3A_321 = arith.constant 5.000000e+00 : f32
    %lt3A_322 = vector.broadcast %lt3A_321 : f32 to vector<160000xf32>
    %lt3A_323 = arith.cmpf olt, %get3A_299, %lt3A_322 : vector<160000xf32>
    %jit3A_324 = arith.constant 0.000000e+00 : f32
    %broadcast_in_dim3A_325 = vector.broadcast %jit3A_324 : f32 to vector<160000xf32>
    %select_n3A_326 = arith.select %lt3A_323, %sub3A_320, %broadcast_in_dim3A_325 : vector<160000xi1>, vector<160000xf32>
    %mul3A_327 = arith.mulf %get3A_299, %get3A_299 : vector<160000xf32>
    %add3A_328 = arith.constant 1.000000e+00 : f32
    %add3A_329 = vector.broadcast %add3A_328 : f32 to vector<160000xf32>
    %add3A_330 = arith.addf %mul3A_327, %add3A_329 : vector<160000xf32>
    %rsqrt3A_331 = math.rsqrt %add3A_330 : vector<160000xf32>
    %mul3A_332 = arith.mulf %select_n3A_326, %rsqrt3A_331 : vector<160000xf32>
    %sub3A_333 = arith.constant 1.000000e+00 : f32
    %sub3A_334 = vector.broadcast %sub3A_333 : f32 to vector<160000xf32>
    %sub3A_335 = arith.subf %sub3A_334, %select_n3A_326 : vector<160000xf32>
    %rsqrt3A_336 = math.rsqrt %mul3A_327 : vector<160000xf32>
    %mul3A_337 = arith.mulf %sub3A_335, %rsqrt3A_336 : vector<160000xf32>
    %add3A_338 = arith.addf %mul3A_332, %mul3A_337 : vector<160000xf32>
    %swap3A_339 = arith.constant 0 : index
    %swap3A_340 = vector.load %arg4[%swap3A_339] : memref<160000xf32, #tpu.memory_space<vmem>>, vector<160000xf32>
    tpu.vector_store %arg4[%swap3A_339], %add3A_338 {strides = array<i32>} : memref<160000xf32, #tpu.memory_space<vmem>>, vector<160000xf32>,
    %dma_start3A_341 = arith.constant 960000 : i32
    %dma_start3A_342 = tpu.memref_slice %arg1[%dma_start3A_341] : memref<1600000xf32, #tpu.memory_space<any>> -> memref<160000xf32, #tpu.memory_space<any>>
    tpu.enqueue_dma source(%arg4 : memref<160000xf32, #tpu.memory_space<vmem>>) target(%dma_start3A_342 : memref<160000xf32, #tpu.memory_space<any>>) target_semaphore(%arg8 : memref<!tpu.dma_semaphore, #tpu.memory_space<semaphore_mem>>)
    %dma_start3A_343 = arith.constant 1280000 : i32
    %dma_start3A_344 = tpu.memref_slice %arg0[%dma_start3A_343] : memref<1600000xf32, #tpu.memory_space<any>> -> memref<160000xf32, #tpu.memory_space<any>>
    tpu.enqueue_dma source(%dma_start3A_344 : memref<160000xf32, #tpu.memory_space<any>>) target(%arg2 : memref<160000xf32, #tpu.memory_space<vmem>>) target_semaphore(%arg6 : memref<!tpu.dma_semaphore, #tpu.memory_space<semaphore_mem>>)
    %dma_wait3A_345 = arith.constant 1120000 : i32
    %dma_wait3A_346 = tpu.memref_slice %arg0[%dma_wait3A_345] : memref<1600000xf32, #tpu.memory_space<any>> -> memref<160000xf32, #tpu.memory_space<any>>
    tpu.wait_dma2 semaphore(%arg7 : memref<!tpu.dma_semaphore, #tpu.memory_space<semaphore_mem>>) src(%dma_wait3A_346 : memref<160000xf32, #tpu.memory_space<any>>) dst(%arg3 : memref<160000xf32, #tpu.memory_space<vmem>>)
    %dma_wait3A_347 = arith.constant 800000 : i32
    %dma_wait3A_348 = tpu.memref_slice %arg1[%dma_wait3A_347] : memref<1600000xf32, #tpu.memory_space<any>> -> memref<160000xf32, #tpu.memory_space<any>>
    tpu.wait_dma2 semaphore(%arg9 : memref<!tpu.dma_semaphore, #tpu.memory_space<semaphore_mem>>) src(%arg5 : memref<160000xf32, #tpu.memory_space<vmem>>) dst(%dma_wait3A_348 : memref<160000xf32, #tpu.memory_space<any>>)
    %get3A_349 = arith.constant 0 : index
    %get3A_350 = vector.load %arg3[%get3A_349] : memref<160000xf32, #tpu.memory_space<vmem>>, vector<160000xf32>
    %mul3A_351 = arith.constant 2.000000e-01 : f32
    %mul3A_352 = vector.broadcast %mul3A_351 : f32 to vector<160000xf32>
    %mul3A_353 = arith.mulf %get3A_350, %mul3A_352 : vector<160000xf32>
    %mul3A_354 = arith.mulf %mul3A_353, %mul3A_353 : vector<160000xf32>
    %mul3A_355 = arith.mulf %mul3A_354, %mul3A_353 : vector<160000xf32>
    %mul3A_356 = arith.mulf %mul3A_355, %mul3A_353 : vector<160000xf32>
    %mul3A_357 = arith.mulf %mul3A_356, %mul3A_353 : vector<160000xf32>
    %mul3A_358 = arith.constant 6.000000e+00 : f32
    %mul3A_359 = vector.broadcast %mul3A_358 : f32 to vector<160000xf32>
    %mul3A_360 = arith.mulf %mul3A_359, %mul3A_357 : vector<160000xf32>
    %sub3A_361 = arith.constant 1.000000e+00 : f32
    %sub3A_362 = vector.broadcast %sub3A_361 : f32 to vector<160000xf32>
    %sub3A_363 = arith.subf %sub3A_362, %mul3A_360 : vector<160000xf32>
    %mul3A_364 = arith.constant 1.500000e+01 : f32
    %mul3A_365 = vector.broadcast %mul3A_364 : f32 to vector<160000xf32>
    %mul3A_366 = arith.mulf %mul3A_365, %mul3A_356 : vector<160000xf32>
    %add3A_367 = arith.addf %sub3A_363, %mul3A_366 : vector<160000xf32>
    %mul3A_368 = arith.constant 1.000000e+01 : f32
    %mul3A_369 = vector.broadcast %mul3A_368 : f32 to vector<160000xf32>
    %mul3A_370 = arith.mulf %mul3A_369, %mul3A_355 : vector<160000xf32>
    %sub3A_371 = arith.subf %add3A_367, %mul3A_370 : vector<160000xf32>
    %lt3A_372 = arith.constant 5.000000e+00 : f32
    %lt3A_373 = vector.broadcast %lt3A_372 : f32 to vector<160000xf32>
    %lt3A_374 = arith.cmpf olt, %get3A_350, %lt3A_373 : vector<160000xf32>
    %jit3A_375 = arith.constant 0.000000e+00 : f32
    %broadcast_in_dim3A_376 = vector.broadcast %jit3A_375 : f32 to vector<160000xf32>
    %select_n3A_377 = arith.select %lt3A_374, %sub3A_371, %broadcast_in_dim3A_376 : vector<160000xi1>, vector<160000xf32>
    %mul3A_378 = arith.mulf %get3A_350, %get3A_350 : vector<160000xf32>
    %add3A_379 = arith.constant 1.000000e+00 : f32
    %add3A_380 = vector.broadcast %add3A_379 : f32 to vector<160000xf32>
    %add3A_381 = arith.addf %mul3A_378, %add3A_380 : vector<160000xf32>
    %rsqrt3A_382 = math.rsqrt %add3A_381 : vector<160000xf32>
    %mul3A_383 = arith.mulf %select_n3A_377, %rsqrt3A_382 : vector<160000xf32>
    %sub3A_384 = arith.constant 1.000000e+00 : f32
    %sub3A_385 = vector.broadcast %sub3A_384 : f32 to vector<160000xf32>
    %sub3A_386 = arith.subf %sub3A_385, %select_n3A_377 : vector<160000xf32>
    %rsqrt3A_387 = math.rsqrt %mul3A_378 : vector<160000xf32>
    %mul3A_388 = arith.mulf %sub3A_386, %rsqrt3A_387 : vector<160000xf32>
    %add3A_389 = arith.addf %mul3A_383, %mul3A_388 : vector<160000xf32>
    %swap3A_390 = arith.constant 0 : index
    %swap3A_391 = vector.load %arg5[%swap3A_390] : memref<160000xf32, #tpu.memory_space<vmem>>, vector<160000xf32>
    tpu.vector_store %arg5[%swap3A_390], %add3A_389 {strides = array<i32>} : memref<160000xf32, #tpu.memory_space<vmem>>, vector<160000xf32>,
    %dma_start3A_392 = arith.constant 1120000 : i32
    %dma_start3A_393 = tpu.memref_slice %arg1[%dma_start3A_392] : memref<1600000xf32, #tpu.memory_space<any>> -> memref<160000xf32, #tpu.memory_space<any>>
    tpu.enqueue_dma source(%arg5 : memref<160000xf32, #tpu.memory_space<vmem>>) target(%dma_start3A_393 : memref<160000xf32, #tpu.memory_space<any>>) target_semaphore(%arg9 : memref<!tpu.dma_semaphore, #tpu.memory_space<semaphore_mem>>)
    %dma_start3A_394 = arith.constant 1440000 : i32
    %dma_start3A_395 = tpu.memref_slice %arg0[%dma_start3A_394] : memref<1600000xf32, #tpu.memory_space<any>> -> memref<160000xf32, #tpu.memory_space<any>>
    tpu.enqueue_dma source(%dma_start3A_395 : memref<160000xf32, #tpu.memory_space<any>>) target(%arg3 : memref<160000xf32, #tpu.memory_space<vmem>>) target_semaphore(%arg7 : memref<!tpu.dma_semaphore, #tpu.memory_space<semaphore_mem>>)
    %dma_wait3A_396 = arith.constant 1280000 : i32
    %dma_wait3A_397 = tpu.memref_slice %arg0[%dma_wait3A_396] : memref<1600000xf32, #tpu.memory_space<any>> -> memref<160000xf32, #tpu.memory_space<any>>
    tpu.wait_dma2 semaphore(%arg6 : memref<!tpu.dma_semaphore, #tpu.memory_space<semaphore_mem>>) src(%dma_wait3A_397 : memref<160000xf32, #tpu.memory_space<any>>) dst(%arg2 : memref<160000xf32, #tpu.memory_space<vmem>>)
    %dma_wait3A_398 = arith.constant 960000 : i32
    %dma_wait3A_399 = tpu.memref_slice %arg1[%dma_wait3A_398] : memref<1600000xf32, #tpu.memory_space<any>> -> memref<160000xf32, #tpu.memory_space<any>>
    tpu.wait_dma2 semaphore(%arg8 : memref<!tpu.dma_semaphore, #tpu.memory_space<semaphore_mem>>) src(%arg4 : memref<160000xf32, #tpu.memory_space<vmem>>) dst(%dma_wait3A_399 : memref<160000xf32, #tpu.memory_space<any>>)
    %get3A_400 = arith.constant 0 : index
    %get3A_401 = vector.load %arg2[%get3A_400] : memref<160000xf32, #tpu.memory_space<vmem>>, vector<160000xf32>
    %mul3A_402 = arith.constant 2.000000e-01 : f32
    %mul3A_403 = vector.broadcast %mul3A_402 : f32 to vector<160000xf32>
    %mul3A_404 = arith.mulf %get3A_401, %mul3A_403 : vector<160000xf32>
    %mul3A_405 = arith.mulf %mul3A_404, %mul3A_404 : vector<160000xf32>
    %mul3A_406 = arith.mulf %mul3A_405, %mul3A_404 : vector<160000xf32>
    %mul3A_407 = arith.mulf %mul3A_406, %mul3A_404 : vector<160000xf32>
    %mul3A_408 = arith.mulf %mul3A_407, %mul3A_404 : vector<160000xf32>
    %mul3A_409 = arith.constant 6.000000e+00 : f32
    %mul3A_410 = vector.broadcast %mul3A_409 : f32 to vector<160000xf32>
    %mul3A_411 = arith.mulf %mul3A_410, %mul3A_408 : vector<160000xf32>
    %sub3A_412 = arith.constant 1.000000e+00 : f32
    %sub3A_413 = vector.broadcast %sub3A_412 : f32 to vector<160000xf32>
    %sub3A_414 = arith.subf %sub3A_413, %mul3A_411 : vector<160000xf32>
    %mul3A_415 = arith.constant 1.500000e+01 : f32
    %mul3A_416 = vector.broadcast %mul3A_415 : f32 to vector<160000xf32>
    %mul3A_417 = arith.mulf %mul3A_416, %mul3A_407 : vector<160000xf32>
    %add3A_418 = arith.addf %sub3A_414, %mul3A_417 : vector<160000xf32>
    %mul3A_419 = arith.constant 1.000000e+01 : f32
    %mul3A_420 = vector.broadcast %mul3A_419 : f32 to vector<160000xf32>
    %mul3A_421 = arith.mulf %mul3A_420, %mul3A_406 : vector<160000xf32>
    %sub3A_422 = arith.subf %add3A_418, %mul3A_421 : vector<160000xf32>
    %lt3A_423 = arith.constant 5.000000e+00 : f32
    %lt3A_424 = vector.broadcast %lt3A_423 : f32 to vector<160000xf32>
    %lt3A_425 = arith.cmpf olt, %get3A_401, %lt3A_424 : vector<160000xf32>
    %jit3A_426 = arith.constant 0.000000e+00 : f32
    %broadcast_in_dim3A_427 = vector.broadcast %jit3A_426 : f32 to vector<160000xf32>
    %select_n3A_428 = arith.select %lt3A_425, %sub3A_422, %broadcast_in_dim3A_427 : vector<160000xi1>, vector<160000xf32>
    %mul3A_429 = arith.mulf %get3A_401, %get3A_401 : vector<160000xf32>
    %add3A_430 = arith.constant 1.000000e+00 : f32
    %add3A_431 = vector.broadcast %add3A_430 : f32 to vector<160000xf32>
    %add3A_432 = arith.addf %mul3A_429, %add3A_431 : vector<160000xf32>
    %rsqrt3A_433 = math.rsqrt %add3A_432 : vector<160000xf32>
    %mul3A_434 = arith.mulf %select_n3A_428, %rsqrt3A_433 : vector<160000xf32>
    %sub3A_435 = arith.constant 1.000000e+00 : f32
    %sub3A_436 = vector.broadcast %sub3A_435 : f32 to vector<160000xf32>
    %sub3A_437 = arith.subf %sub3A_436, %select_n3A_428 : vector<160000xf32>
    %rsqrt3A_438 = math.rsqrt %mul3A_429 : vector<160000xf32>
    %mul3A_439 = arith.mulf %sub3A_437, %rsqrt3A_438 : vector<160000xf32>
    %add3A_440 = arith.addf %mul3A_434, %mul3A_439 : vector<160000xf32>
    %swap3A_441 = arith.constant 0 : index
    %swap3A_442 = vector.load %arg4[%swap3A_441] : memref<160000xf32, #tpu.memory_space<vmem>>, vector<160000xf32>
    tpu.vector_store %arg4[%swap3A_441], %add3A_440 {strides = array<i32>} : memref<160000xf32, #tpu.memory_space<vmem>>, vector<160000xf32>,
    %dma_start3A_443 = arith.constant 1280000 : i32
    %dma_start3A_444 = tpu.memref_slice %arg1[%dma_start3A_443] : memref<1600000xf32, #tpu.memory_space<any>> -> memref<160000xf32, #tpu.memory_space<any>>
    tpu.enqueue_dma source(%arg4 : memref<160000xf32, #tpu.memory_space<vmem>>) target(%dma_start3A_444 : memref<160000xf32, #tpu.memory_space<any>>) target_semaphore(%arg8 : memref<!tpu.dma_semaphore, #tpu.memory_space<semaphore_mem>>)
    %dma_wait3A_445 = arith.constant 1440000 : i32
    %dma_wait3A_446 = tpu.memref_slice %arg0[%dma_wait3A_445] : memref<1600000xf32, #tpu.memory_space<any>> -> memref<160000xf32, #tpu.memory_space<any>>
    tpu.wait_dma2 semaphore(%arg7 : memref<!tpu.dma_semaphore, #tpu.memory_space<semaphore_mem>>) src(%dma_wait3A_446 : memref<160000xf32, #tpu.memory_space<any>>) dst(%arg3 : memref<160000xf32, #tpu.memory_space<vmem>>)
    %dma_wait3A_447 = arith.constant 1120000 : i32
    %dma_wait3A_448 = tpu.memref_slice %arg1[%dma_wait3A_447] : memref<1600000xf32, #tpu.memory_space<any>> -> memref<160000xf32, #tpu.memory_space<any>>
    tpu.wait_dma2 semaphore(%arg9 : memref<!tpu.dma_semaphore, #tpu.memory_space<semaphore_mem>>) src(%arg5 : memref<160000xf32, #tpu.memory_space<vmem>>) dst(%dma_wait3A_448 : memref<160000xf32, #tpu.memory_space<any>>)
    %get3A_449 = arith.constant 0 : index
    %get3A_450 = vector.load %arg3[%get3A_449] : memref<160000xf32, #tpu.memory_space<vmem>>, vector<160000xf32>
    %mul3A_451 = arith.constant 2.000000e-01 : f32
    %mul3A_452 = vector.broadcast %mul3A_451 : f32 to vector<160000xf32>
    %mul3A_453 = arith.mulf %get3A_450, %mul3A_452 : vector<160000xf32>
    %mul3A_454 = arith.mulf %mul3A_453, %mul3A_453 : vector<160000xf32>
    %mul3A_455 = arith.mulf %mul3A_454, %mul3A_453 : vector<160000xf32>
    %mul3A_456 = arith.mulf %mul3A_455, %mul3A_453 : vector<160000xf32>
    %mul3A_457 = arith.mulf %mul3A_456, %mul3A_453 : vector<160000xf32>
    %mul3A_458 = arith.constant 6.000000e+00 : f32
    %mul3A_459 = vector.broadcast %mul3A_458 : f32 to vector<160000xf32>
    %mul3A_460 = arith.mulf %mul3A_459, %mul3A_457 : vector<160000xf32>
    %sub3A_461 = arith.constant 1.000000e+00 : f32
    %sub3A_462 = vector.broadcast %sub3A_461 : f32 to vector<160000xf32>
    %sub3A_463 = arith.subf %sub3A_462, %mul3A_460 : vector<160000xf32>
    %mul3A_464 = arith.constant 1.500000e+01 : f32
    %mul3A_465 = vector.broadcast %mul3A_464 : f32 to vector<160000xf32>
    %mul3A_466 = arith.mulf %mul3A_465, %mul3A_456 : vector<160000xf32>
    %add3A_467 = arith.addf %sub3A_463, %mul3A_466 : vector<160000xf32>
    %mul3A_468 = arith.constant 1.000000e+01 : f32
    %mul3A_469 = vector.broadcast %mul3A_468 : f32 to vector<160000xf32>
    %mul3A_470 = arith.mulf %mul3A_469, %mul3A_455 : vector<160000xf32>
    %sub3A_471 = arith.subf %add3A_467, %mul3A_470 : vector<160000xf32>
    %lt3A_472 = arith.constant 5.000000e+00 : f32
    %lt3A_473 = vector.broadcast %lt3A_472 : f32 to vector<160000xf32>
    %lt3A_474 = arith.cmpf olt, %get3A_450, %lt3A_473 : vector<160000xf32>
    %jit3A_475 = arith.constant 0.000000e+00 : f32
    %broadcast_in_dim3A_476 = vector.broadcast %jit3A_475 : f32 to vector<160000xf32>
    %select_n3A_477 = arith.select %lt3A_474, %sub3A_471, %broadcast_in_dim3A_476 : vector<160000xi1>, vector<160000xf32>
    %mul3A_478 = arith.mulf %get3A_450, %get3A_450 : vector<160000xf32>
    %add3A_479 = arith.constant 1.000000e+00 : f32
    %add3A_480 = vector.broadcast %add3A_479 : f32 to vector<160000xf32>
    %add3A_481 = arith.addf %mul3A_478, %add3A_480 : vector<160000xf32>
    %rsqrt3A_482 = math.rsqrt %add3A_481 : vector<160000xf32>
    %mul3A_483 = arith.mulf %select_n3A_477, %rsqrt3A_482 : vector<160000xf32>
    %sub3A_484 = arith.constant 1.000000e+00 : f32
    %sub3A_485 = vector.broadcast %sub3A_484 : f32 to vector<160000xf32>
    %sub3A_486 = arith.subf %sub3A_485, %select_n3A_477 : vector<160000xf32>
    %rsqrt3A_487 = math.rsqrt %mul3A_478 : vector<160000xf32>
    %mul3A_488 = arith.mulf %sub3A_486, %rsqrt3A_487 : vector<160000xf32>
    %add3A_489 = arith.addf %mul3A_483, %mul3A_488 : vector<160000xf32>
    %swap3A_490 = arith.constant 0 : index
    %swap3A_491 = vector.load %arg5[%swap3A_490] : memref<160000xf32, #tpu.memory_space<vmem>>, vector<160000xf32>
    tpu.vector_store %arg5[%swap3A_490], %add3A_489 {strides = array<i32>} : memref<160000xf32, #tpu.memory_space<vmem>>, vector<160000xf32>,
    %dma_start3A_492 = arith.constant 1440000 : i32
    %dma_start3A_493 = tpu.memref_slice %arg1[%dma_start3A_492] : memref<1600000xf32, #tpu.memory_space<any>> -> memref<160000xf32, #tpu.memory_space<any>>
    tpu.enqueue_dma source(%arg5 : memref<160000xf32, #tpu.memory_space<vmem>>) target(%dma_start3A_493 : memref<160000xf32, #tpu.memory_space<any>>) target_semaphore(%arg9 : memref<!tpu.dma_semaphore, #tpu.memory_space<semaphore_mem>>)
    %dma_wait3A_494 = arith.constant 1280000 : i32
    %dma_wait3A_495 = tpu.memref_slice %arg1[%dma_wait3A_494] : memref<1600000xf32, #tpu.memory_space<any>> -> memref<160000xf32, #tpu.memory_space<any>>
    tpu.wait_dma2 semaphore(%arg8 : memref<!tpu.dma_semaphore, #tpu.memory_space<semaphore_mem>>) src(%arg4 : memref<160000xf32, #tpu.memory_space<vmem>>) dst(%dma_wait3A_495 : memref<160000xf32, #tpu.memory_space<any>>)
    %dma_wait3A_496 = arith.constant 1440000 : i32
    %dma_wait3A_497 = tpu.memref_slice %arg1[%dma_wait3A_496] : memref<1600000xf32, #tpu.memory_space<any>> -> memref<160000xf32, #tpu.memory_space<any>>
    tpu.wait_dma2 semaphore(%arg9 : memref<!tpu.dma_semaphore, #tpu.memory_space<semaphore_mem>>) src(%arg5 : memref<160000xf32, #tpu.memory_space<vmem>>) dst(%dma_wait3A_497 : memref<160000xf32, #tpu.memory_space<any>>)
    return
  }
}

module attributes {stable_mosaic.version = 14 : i64} {
  func.func @_tc_reduce(%arg0: memref<32x50000xf32, #tpu.memory_space<vmem>>, %arg1: memref<50000xf32, #tpu.memory_space<vmem>>) attributes {dimension_semantics = [], scalar_prefetch = 0 : i64, scratch_operands = 0 : i64, tpu.core_type = #tpu.core_type<tc>} {
    %get3A = arith.constant 0 : index
    %get3A_0 = arith.constant 0 : index
    %get3A_1 = vector.load %arg0[%get3A, %get3A_0] : memref<32x50000xf32, #tpu.memory_space<vmem>>, vector<32x50000xf32>
    %reduce_sum3A = arith.constant dense<0.000000e+00> : vector<50000xf32>
    %reduce_sum3A_2 = vector.multi_reduction <add>, %get3A_1, %reduce_sum3A [0] : vector<32x50000xf32> to vector<50000xf32>
    %mul3A = arith.constant 7.1998229 : f32
    %mul3A_3 = vector.broadcast %mul3A : f32 to vector<50000xf32>
    %mul3A_4 = arith.mulf %reduce_sum3A_2, %mul3A_3 : vector<50000xf32>
    %swap3A = arith.constant 0 : index
    %swap3A_5 = vector.load %arg1[%swap3A] : memref<50000xf32, #tpu.memory_space<vmem>>, vector<50000xf32>
    tpu.vector_store %arg1[%swap3A], %mul3A_4 {strides = array<i32>} : memref<50000xf32, #tpu.memory_space<vmem>>, vector<50000xf32>,
    return
  }
}

</mosaic_0001>

<sc_bundles>
// kernel: kernel.5.cloned.1.call-start
scs
__scs_entry_jumppad:
0x0: {  	(pc) =	sbr.rel $0x88, $3  }
0x1: {  	(tag) =	ssettag $0x0;
	lr =	simm.s32 $0x1  }
0x2: {  	[smem:$0x3F9E] =	sst lr;
	_ =	strace $0xD0000000  }
0x3: {  	_ = 	snop  }
0x4: {  	_ = 	snop  }
0x5: {  	_ = 	snop  }
0x6: {  	_ = 	snop  }
0x7: {  	_ = 	snop  }
__scs_overlays_trampoline_lowered:
0x8: {  	[smem:$0x3FAD] =	sst s0  }
0x9: {  	[smem:$0x3FAE] =	sst s1  }
0xa: {  	[smem:$0x3FAF] =	sst s2  }
0xb: {  	[smem:$0x3FB0] =	sst s3  }
0xc: {  	[smem:$0x3FB1] =	sst s4  }
0xd: {  	[smem:$0x3FB2] =	sst s5  }
0xe: {  	[smem:$0x3FB3] =	sst s6  }
0xf: {  	[smem:$0x3FB4] =	sst s7  }
0x10: {  	[smem:$0x3FB5] =	sst s8  }
0x11: {  	[smem:$0x3FB6] =	sst s9;
	s0 =	simm.s32 @!p0 $0x0  }
0x12: {  	s1 =	sld [smem:$0x3F9C];
	s0 =	simm.s32 @p0 $0x1  }
0x13: {  	[smem:$0x3FB7] =	sst s0;
	s0 =	simm.s32 @!p1 $0x0  }
0x14: {  	s2 =	sld [smem:$0x3F9B];
	s0 =	simm.s32 @p1 $0x1  }
0x15: {  	[smem:$0x3FB8] =	sst s0;
	s0 =	simm.s32 @!p2 $0x0  }
0x16: {  	s3 =	sld [smem:$0x3FDB];
	s0 =	simm.s32 @p2 $0x1  }
0x17: {  	s4 =	simm.s32 $0x1BF5;
	[smem:$0x3FBA] =	sst s0  }
0x18: {  	s0 =	sld [smem:$0x3F9D];
	_ =	swait.ge [sflag:s4], $0x0  }
0x19: {  	s7 =	sld [smem:$0x3F9E]  }
0x1a: {  	s8 =	sadd.s32 $0xFFFFE003, lr  }
0x1b: {  	s9 =	sadd.s32 $0xFFFFFEF7, lr;
	s5 =	simm.s32 $0xFFFFFFFF;
	p2 =	slt.u32 s8, $0xFFFFF086  }
0x1c: {  	p1 =	slt.u32 s9, $0xF7A;
	s5 =	simm.s32 @!p2 $0x0  }
0x1d: {  	s5 =	simm.s32 @p1 $0x1;
	p0 =	seq.s32 s7, s2  }
0x1e: {  	s7 =	smul.u32 @!p0 $0xF7A, s2;
	p2 =	seq.s32 @!p0 s5, $0x0  }
0x1f: {  	s9 =	smul.u32 $0xF7A, s1;
	s8 =	simm.s32 @!p0 $0x1BF5;
	p2 =	por !p2, p0  }
0x20: {  	[sflag:s8] =	ssyncset.s32 @!p0 $0xFFFFF086;
	s6 =	sadd.s32 @!p0 s3, s7;
	s7 =	simm.s32 @!p0 $0x108  }
0x21: {  	s3 =	sadd.s32 s3, s9;
	s6 =	sadd.s32 @!p0 $0x88, s6;
	s7 =	simm.s32 @p2 $0x1082  }
0x22: {  	[simem:s7], [sflag:s8] =	dma.local @!p0 [hbm:s6], $0xF7A  }
0x23: {  	s9 =	sor.u32 $0xD0000000, s2;
	s6 =	simm.s32 $0x108;
	_ =	swait.ge @!p0 [sflag:s8], $0x0  }
0x24: {  	s3 =	sadd.s32 $0x88, s3;
	s6 =	simm.s32 @!p1 $0x1082;
	[sflag:s4] =	ssyncset.s32 $0xFFFFF086  }
0x25: {  	[simem:s6], [sflag:s4] =	dma.local [hbm:s3], $0xF7A  }
0x26: {  	[smem:$0x3F9E] =	sst s1;
	(tag) =	ssettag s2;
	_ =	strace s9  }
0x27: {  	s1 =	sld [smem:$0x3FAE]  }
0x28: {  	s2 =	sld [smem:$0x3FAF]  }
0x29: {  	s4 =	sld [smem:$0x3FB1]  }
0x2a: {  	p0 =	seq.s32 s5, $0x0;
	s5 =	sld [smem:$0x3FB2]  }
0x2b: {  	s6 =	sld [smem:$0x3FB3]  }
0x2c: {  	s7 =	sld [smem:$0x3FB4]  }
0x2d: {  	s3 =	simm.s32 $0x108;
	s8 =	sld [smem:$0x3FB5]  }
0x2e: {  	s3 =	simm.s32 @!p0 $0x1082;
	s9 =	sld [smem:$0x3FB6]  }
0x2f: {  	lr =	sadd.s32 s0, s3;
	s0 =	sld [smem:$0x3FAD]  }
0x30: {  	s3 =	sld [smem:$0x3FB0]  }
0x31: {  	[smem:$0x3FB9] =	sst s10  }
0x32: {  	s10 =	sld [smem:$0x3FB7];
	_ =	sdelay $0x3  }
0x33: {  	p0 =	seq.s32 s10, $0x1;
	s10 =	sld [smem:$0x3FB9];
	_ =	sdelay $0x3  }
0x34: {  	[smem:$0x3FB9] =	sst s10  }
0x35: {  	s10 =	sld [smem:$0x3FB8];
	_ =	sdelay $0x3  }
0x36: {  	p1 =	seq.s32 s10, $0x1;
	s10 =	sld [smem:$0x3FB9];
	_ =	sdelay $0x3  }
0x37: {  	[smem:$0x3FB9] =	sst s10  }
0x38: {  	s10 =	sld [smem:$0x3FBA]  }
0x39: {  	_ = 	snop;
	(pc) =	sbr.ind lr, $3  }
0x3a: {  	_ = 	snop  }
0x3b: {  	_ = 	snop  }
0x3c: {  	p2 =	seq.s32 s10, $0x1;
	s10 =	sld [smem:$0x3FB9]  }
0x3d: {  	_ =	shalt  }
0x3e: {  	_ =	shalt  }
0x3f: {  	_ =	shalt  }
0x40: {  	_ =	shalt  }
0x41: {  	_ =	shalt  }
0x42: {  	_ =	shalt  }
0x43: {  	_ =	shalt  }
0x44: {  	_ =	shalt  }
0x45: {  	_ =	shalt  }
0x46: {  	_ =	shalt  }
0x47: {  	_ =	shalt  }
0x48: {  	_ =	shalt  }
0x49: {  	_ =	shalt  }
0x4a: {  	_ =	shalt  }
0x4b: {  	_ =	shalt  }
0x4c: {  	_ =	shalt  }
0x4d: {  	_ =	shalt  }
0x4e: {  	_ =	shalt  }
0x4f: {  	_ =	shalt  }
0x50: {  	_ =	shalt  }
0x51: {  	_ =	shalt  }
0x52: {  	_ =	shalt  }
0x53: {  	_ =	shalt  }
0x54: {  	_ =	shalt  }
0x55: {  	_ =	shalt  }
0x56: {  	_ =	shalt  }
0x57: {  	_ =	shalt  }
0x58: {  	_ =	shalt  }
0x59: {  	_ =	shalt  }
0x5a: {  	_ =	shalt  }
0x5b: {  	_ =	shalt  }
0x5c: {  	_ =	shalt  }
0x5d: {  	_ =	shalt  }
0x5e: {  	_ =	shalt  }
0x5f: {  	_ =	shalt  }
0x60: {  	_ =	shalt  }
0x61: {  	_ =	shalt  }
0x62: {  	_ =	shalt  }
0x63: {  	_ =	shalt  }
0x64: {  	_ =	shalt  }
0x65: {  	_ =	shalt  }
0x66: {  	_ =	shalt  }
0x67: {  	_ =	shalt  }
0x68: {  	_ =	shalt  }
0x69: {  	_ =	shalt  }
0x6a: {  	_ =	shalt  }
0x6b: {  	_ =	shalt  }
0x6c: {  	_ =	shalt  }
0x6d: {  	_ =	shalt  }
0x6e: {  	_ =	shalt  }
0x6f: {  	_ =	shalt  }
0x70: {  	_ =	shalt  }
0x71: {  	_ =	shalt  }
0x72: {  	_ =	shalt  }
0x73: {  	_ =	shalt  }
0x74: {  	_ =	shalt  }
0x75: {  	_ =	shalt  }
0x76: {  	_ =	shalt  }
0x77: {  	_ =	shalt  }
0x78: {  	_ =	shalt  }
0x79: {  	_ =	shalt  }
0x7a: {  	_ =	shalt  }
0x7b: {  	_ =	shalt  }
0x7c: {  	_ =	shalt  }
0x7d: {  	_ =	shalt  }
0x7e: {  	_ =	shalt  }
0x7f: {  	_ =	shalt  }
0x80: {  	_ =	shalt  }
0x81: {  	_ =	shalt  }
0x82: {  	_ =	shalt  }
0x83: {  	_ =	shalt  }
0x84: {  	_ =	shalt  }
0x85: {  	_ =	shalt  }
0x86: {  	_ =	shalt  }
0x87: {  	_ =	shalt  }
.Lfunc_end0:
.L_simem_size_0:
called_computation_lowered:
.L_overlay_start_0:
0x88: {  	s2 =	sld [smem:$0x3FD9]  }
0x89: {  	s3 =	sld [smem:$0x3FFE];
	_ =	sdelay $0x1  }
0x8a: {  	s1 =	srdreg.scid  }
0x8b: {  	s0 =	sand.u32 $0x1, s1  }
0x8c: {  	s17 =	sshll.u32 s0, $0xA;
	s2 =	sadd.s32 s3, s2  }
0x8d: {  	s2 =	sadd.s32 s2, s17  }
0x8e: {  	[smem:$0x3FC5] =	sst s2  }
0x8f: {  	_ = 	snop  }
0x90: {  	s2 =	sld [smem:$0x3FC9]  }
0x91: {  	s18 =	sld [smem:$0x3FC7];
	(tm) =	ssettm $0x1  }
0x92: {  	s4 =	sld [smem:$0x3FFB];
	_ =	sdelay $0x3  }
0x93: {  	_ =	strace s4  }
0x94: {  	s4 =	sld [smem:$0x3FFC];
	_ =	sdelay $0x3  }
0x95: {  	_ =	strace s4  }
0x96: {  	s4 =	sld [smem:$0x3FFD];
	_ =	sdelay $0x3  }
0x97: {  	_ =	strace s4  }
0x98: {  	_ =	strace $0x8FFFFFFF  }
0x99: {  	s19 =	sld [smem:$0x3FDB];
	_ =	sdelay $0x1  }
0x9a: {  	s5 =	simm.s32 $_scs_section_size  }
0x9b: {  	s6 =	simm.s32 $_size__tile_overlayer_lowered;
	s7 =	simm.s32 $_tile_overlayer_lowered  }
0x9c: {  	s22 =	simm.s32 $0x1BFF;
	s21 =	sshll.u32 s7, $0x1;
	s4 =	sadd.s32 s5, s19  }
0x9d: {  	s8 =	simm.s32 $0x0;
	s20 =	sshll.u32 s6, $0x1;
	s6 =	sadd.s32 s21, s4  }
0x9e: {  	[timem:s8], [sflag:s22] =	dma.local [hbm:s6], s20  }
0x9f: {  	_ =	swait.ge [sflag:s22], s20  }
0xa0: {  	s5 =	ssub.s32 $0x0, s20;
	[sflag:s22] =	ssyncset.done $0x0  }
0xa1: {  	[sflag:s22] =	ssyncadd.s32 s5;
	_ =	sdelay $0x1  }
0xa2: {  	s23 =	simm.s32 $0x1B8B  }
0xa3: {  	_ =	swait.ge [sflag:s23], $0x1  }
0xa4: {  	[sflag:s23] =	ssyncset.done $0x0  }
0xa5: {  	s25 =	simm.s32 $0x1B8E;
	s24 =	sld [smem:$0x3FFE];
	[sflag:s23] =	ssyncadd.s32 $0xFFFFFFFF  }
0xa6: {  	s26 =	simm.s32 $execute0_lowered;
	[smem:$0x3FD2] =	sst s25  }
0xa7: {  	s6 =	sshll.u32 s26, $0x1;
	_ =	strace $0x80000046;
	[dreg:$0x1] =	wrdreg $0xFFFFFFFF  }
0xa8: {  	s28 =	simm.s32 $_size_execute0_lowered;
	s4 =	sadd.s32 s4, s6;
	[dreg:$0x0] =	wrdreg $0x0  }
0xa9: {  	s6 =	sshll.u32 s28, $0x1;
	[dreg:$0x2] =	wrdreg s4  }
0xaa: {  	[dreg:$0x3] =	wrdreg s6  }
0xab: {  	[dreg:$0x4] =	wrdreg $0xC0  }
0xac: {  	_ =	task [dreg:s8], $0x5FFFF  }
0xad: {  	[dreg:$0x1] =	wrdreg $0xFFFFFFFF  }
0xae: {  	[dreg:$0x0] =	wrdreg $0x60  }
0xaf: {  	[dreg:$0x2] =	wrdreg s2  }
0xb0: {  	[dreg:$0x3] =	wrdreg s18  }
0xb1: {  	[dreg:$0x4] =	wrdreg s24  }
0xb2: {  	[dreg:$0x5] =	wrdreg $0x9  }
0xb3: {  	_ =	task.clear_ibuf [dreg:s8], $0x6FFFF;
	_ =	strace $0x90000046  }
0xb4: {  	s29 =	simm.s32 $0x9;
	_ =	strace $0x80000048  }
0xb5: {  	_ =	swait.ge [sflag:s29], $0x1  }
0xb6: {  	[sflag:s29] =	ssyncadd.s32 $0xFFFFFFFF  }
0xb7: {  	_ =	strace $0x90000048  }
0xb8: {  	_ =	sfence  }
0xb9: {  	s30 =	sld [smem:$0x0];
	_ =	sdelay $0x2  }
0xba: {  	s31 =	sshll.u32 s1, $0xD;
	s1 =	sshrl.u32 s1, $0x2  }
0xbb: {  	s3 =	sand.u32 $0x4000, s31;
	s1 =	sadd.s32 s1, s30  }
0xbc: {  	s0 =	sor.u32 s3, s0;
	s1 =	sshll.u32 s1, $0x11  }
0xbd: {  	s0 =	sor.u32 s1, s0  }
0xbe: {  	s0 =	sadd.s32 $0x8F2B, s0  }
0xbf: {  	[sflag:s0] =	ssyncadd.remote.s32 $0x1  }
0xc0: {  	_ =	sfence.sel $0xFFFF  }
0xc1: {  	[dreg:$0x0] =	wrdreg $0xFFFFFFFF;
	(pc) =	sbr.abs _section_cstart, $3  }
0xc2: {  	[dreg:$0x1] =	wrdreg $0xFFFFFFFF  }
0xc3: {  	_ =	task.clear_ibuf [dreg:s8], $0x2FFFF;
	_ =	strace $0x9FFFFFFF  }
0xc4: {  	(tm) =	ssettm $0x7FFFFFFF  }
0xc5: {  	_ =	shalt  }
tec
execute0_lowered:
.L_overlay_start_1:
0x0: {  	(tag) =	ssettag $0x1  }
0x1: {  	s0 =	srdreg.scid;
	s3 =	rddreg [dreg:$0x1]  }
0x2: {  	s1 =	stileid.u32;
	s6 =	rddreg [dreg:$0x2]  }
0x3: {  	s4 =	simm.s32 $0x0;
	s14 =	simm.s32 $0x18700;
	s15 =	simm.s32 $0x19B00  }
0x4: {  	s16 =	simm.s32 $0x1;
	s17 =	simm.s32 $0x2;
	s0 =	sand.u32 $0x1, s0  }
0x5: {  	s18 =	simm.s32 $0x1A500;
	s19 =	simm.s32 $0x1B900;
	s2 =	sshll.u32 s0, $0x4  }
0x6: {  	s20 =	simm.s32 $0xC380;
	s21 =	simm.s32 $0x3;
	s2 =	sor.u32 s1, s2  }
0x7: {  	[smem:$0x7FF] =	sst s4;
	s7 =	sshll.u32 s1, $0x7;
	s8 =	smul.u32 $0x280, s2  }
0x8: {  	_ =	strace $0x80000047;
	s0 =	ssub.s32 $0x2, s0;
	s23 =	smul.u32 $0x140, s2  }
0x9: {  	s10 =	sshrl.u32 s0, $0x1;
	s5 =	sshrl.u32 s2, $0x3;
	s11 =	smul.u32 $0xA00, s2  }
0xa: {  	s7 =	sand.u32 $0x380, s7;
	s0 =	ssub.s32 s0, s10;
	s5 =	smul.u32 $0x61C00, s5  }
0xb: {  	s13 =	sor.u32 $0x20, s2;
	p0 =	sgt.u32 s2, $0x10;
	s24 =	sadd.s32 s3, s8  }
0xc: {  	s26 =	sadd.s32 $0x17C000, s11;
	s8 =	sor.u32 $0x40, s2;
	s5 =	sor.u32 s7, s5  }
0xd: {  	[dreg:$0x4] =	wrdreg s24;
	s28 =	sshrl.u32 s26, $0x2;
	s9 =	sshrl.u32 s5, $0x3  }
.Ltmp0:
0xe: {  	s5 =	sadd.s32 $0xA00, s6;
	s29 =	sadd.s32 s3, s28;
	(pc) =	sbr.rel .LBB2_1-.Ltmp0, $4  }
0xf: {  	s11 =	sshrl.u32 s26, $0x3;
	s25 =	sadd.s32 s5, s23;
	[dreg:$0x6] =	wrdreg s29  }
0x10: {  	s12 =	sadd.s32 s9, s6;
	s30 =	sadd.s32 s5, s11;
	[dreg:$0x5] =	wrdreg s25  }
0x11: {  	s24 =	simm.s32 $0x4;
	[dreg:$0x7] =	wrdreg s30;
	s31 =	sadd.s32 $0x31800, s12  }
0x12: {  	v0 =	vimm.f32 $0.0e+00;
	s12 =	smax.u32 s0, $0x1;
	s25 =	simm.s32 $0x0;
	[dreg:$0x8] =	wrdreg s31  }
.LBB2_15:
0x13: {  	s25 =	sadd.s32 $0x1, s25  }
0x14: {  	s0 =	rddreg [dreg:$0x8];
	p1 =	sne.s32 s25, s12  }
.Ltmp1:
0x15: {  	s1 =	simm.s32 $0x80;
	s2 =	simm.s32 $0x400;
	(pc) =	sbr.rel @!p1 .LBB2_16-.Ltmp1, $4  }
0x16: {  	[hbm4b:s0+s1] =	stream.strided.scatter [tilespmem:s20], [sflag:$0x4], $0xC380, s2, s1, $0x38;
	[tilespmem:$0x1C300] =	vst v63  }
0x17: {  	_ =	swait.ge [sflag:s24], $0xC380  }
0x18: {  	[sflag:s24] =	ssyncset.done $0x0  }
0x19: {  	[sflag:s24] =	ssyncadd.s32 $0xFFFF3C80  }
.LBB2_1:
0x1a: {  	s0 =	rddreg [dreg:$0x0]  }
0x1b: {  	[tilespmem:s4], [sflag:$0x1] =	stream.linear.gather [hbm4b:s0+s4], $0xC380, $0x38;
	[tilespmem:$0x1C300] =	vst v63  }
0x1c: {  	s30 =	rddreg [dreg:$0x4]  }
0x1d: {  	[tilespmem:s14], [sflag:$0x2] =	stream.linear.gather [hbm4b:s30+s4], $0x1400, $0x38;
	[tilespmem:$0x1C300] =	vst v63  }
0x1e: {  	s31 =	rddreg [dreg:$0x5];
	s0 =	simm.s32 $0xC3A0  }
0x1f: {  	[tilespmem:s15], [sflag:$0x2] =	stream.linear.gather [hbm4b:s31+s4], $0xA00, $0x38;
	[tilespmem:$0x1C300] =	vst v63  }
0x20: {  	[tilespmem:s0+$0xFFFFFFE0] =	vst v0  }
0x21: {  	[tilespmem:s0+$0x20] =	vst v0  }
0x22: {  	[tilespmem:s0+$0x10] =	vst v0  }
0x23: {  	s2 =	simm.s32 $0x0;
	[tilespmem:s0+$0x0] =	vst v0  }
.LBB2_2:
0x24: {  	s2 =	sadd.s32 $0x5, s2  }
0x25: {  	[tilespmem:s0+$0xFFFFFFF0] =	vst v0;
	s0 =	sadd.s32 $0x50, s0;
	p1 =	slt.u32 s2, $0xC30  }
.Ltmp2:
0x26: {  	[tilespmem:s0+$0xFFFFFFE0] =	vst v0;
	(pc) =	sbr.rel @p1 .LBB2_2-.Ltmp2, $4  }
0x27: {  	_ = 	snop  }
0x28: {  	[tilespmem:s0+$0x20] =	vst v0  }
0x29: {  	[tilespmem:s0+$0x10] =	vst v0  }
0x2a: {  	[tilespmem:s0+$0x0] =	vst v0  }
0x2b: {  	[tilespmem:s0+$0xFFFFFFF0] =	vst v0  }
0x2c: {  	_ =	swait.ge [sflag:s16], $0xC380  }
0x2d: {  	[sflag:s16] =	ssyncset.done $0x0  }
0x2e: {  	s26 =	simm.s32 $0x0;
	s28 =	simm.s32 $0x0;
	[sflag:s16] =	ssyncadd.s32 $0xFFFF3C80  }
.LBB2_4:
0x2f: {  	_ =	swait.ge [sflag:s17], $0x1400  }
0x30: {  	s29 =	sshll.u32 s28, $0x6;
	[sflag:s17] =	ssyncset.done $0x0  }
0x31: {  	s0 =	sor.u32 s13, s29;
	[sflag:s17] =	ssyncadd.s32 $0xFFFFEC00  }
0x32: {  	s2 =	smul.u32 $0x280, s0;
	_ =	swait.ge [sflag:s17], $0xA00  }
0x33: {  	s10 =	simm.s32 $0x40;
	s11 =	simm.s32 $0x80;
	[sflag:s17] =	ssyncset.done $0x0  }
0x34: {  	s0 =	smul.u32 $0x140, s0;
	s2 =	sadd.s32 s3, s2;
	[sflag:s17] =	ssyncadd.s32 $0xFFFFF600  }
0x35: {  	[tilespmem:s18], [sflag:$0x3] =	stream.linear.gather [hbm4b:s2+s26], $0x1400, $0x38;
	[tilespmem:$0x1C300] =	vst v63  }
0x36: {  	s30 =	sand.u32 $0x70, s10;
	s2 =	sand.u32 $0x3F00, s11  }
0x37: {  	s0 =	sadd.s32 s5, s0;
	s2 =	sor.u32 s30, s2  }
0x38: {  	[tilespmem:s19], [sflag:$0x3] =	stream.linear.gather [hbm4b:s0+s26], $0xA00, $0x38;
	[tilespmem:$0x1C300] =	vst v63  }
0x39: {  	s30 =	sadd.s32 $0x18700, s2  }
0x3a: {  	s22 =	simm.s32 $0x10;
	v1 =	vld [tilespmem:s30+$0x80];
	s30 =	simm.s32 $0x20  }
0x3b: {  	v3 =	vld [tilespmem:s2+$0x18700];
	s2 =	sand.u32 $0x70, s22;
	s31 =	sand.u32 $0x3F00, s30  }
0x3c: {  	s0 =	sand.u32 $0x3F00, s10;
	s30 =	sand.u32 $0x70, s30;
	s2 =	sor.u32 s2, s31  }
0x3d: {  	s0 =	sor.u32 s30, s0;
	v4 =	vld [tilespmem:s2+$0x18700]  }
0x3e: {  	s23 =	simm.s32 $0x30;
	s31 =	simm.s32 $0x60;
	s30 =	sadd.s32 $0x18700, s2;
	v12 =	vld [tilespmem:s0+$0x18700]  }
0x3f: {  	s2 =	sand.u32 $0x70, s23;
	s31 =	sand.u32 $0x3F00, s31;
	v5 =	vld [tilespmem:s30+$0x80];
	s30 =	sadd.s32 $0x18700, s0  }
0x40: {  	s1 =	sand.u32 $0x70, s26;
	s2 =	sor.u32 s2, s31;
	v6 =	vld [tilespmem:s30+$0x80];
	s30 =	sand.u32 $0x1F00, s26  }
0x41: {  	v2 =	vld [tilespmem:s2+$0x18700];
	s1 =	sor.u32 s1, s30;
	s30 =	sadd.s32 $0x18700, s2  }
0x42: {  	v9 =	vld [tilespmem:s30+$0x80]  }
0x43: {  	v7 =	vld.idx.msk [tilespmem:v3+s4+$0x0], $0xffff  }
0x44: {  	s31 =	sadd.s32 $0x18700, s1;
	v8 =	vld.idx.msk [tilespmem:v1+s4+$0x0], $0xffff  }
0x45: {  	s30 =	simm.s32 $0x19B20;
	v10 =	vld [tilespmem:s31+$0x80]  }
0x46: {  	v11 =	vld [tilespmem:s30+$0x20]  }
0x47: {  	s2 =	simm.s32 $0x120;
	v1 =	vld [tilespmem:s1+$0x18700];
	s1 =	simm.s32 $0x90  }
0x48: {  	v19 =	vld [tilespmem:s30+$0xFFFFFFE0];
	s0 =	sand.u32 $0x70, s1;
	s1 =	sand.u32 $0x3F00, s2  }
0x49: {  	v20 =	vld [tilespmem:s30+$0x10];
	s0 =	sor.u32 s0, s1  }
0x4a: {  	v16 =	vld [tilespmem:s0+$0x18700];
	v7 =	vmul.f32 v8, v7  }
0x4b: {  	v5 =	vld.idx.msk [tilespmem:v5+s4+$0x0], $0xffff  }
0x4c: {  	v6 =	vld.idx.msk [tilespmem:v6+s4+$0x0], $0xffff;
	v7 =	vmul.f32 v7, v11  }
0x4d: {  	v8 =	vld.idx.msk [tilespmem:v12+s4+$0x0], $0xffff  }
0x4e: {  	[tilespmem:v3+s20+$0x0] =	vst.idx.add.f32.msk $0xffff, v7  }
0x4f: {  	v3 =	vld.idx.msk [tilespmem:v4+s4+$0x0], $0xffff  }
0x50: {  	v7 =	vld.idx.msk [tilespmem:v10+s4+$0x0], $0xffff  }
0x51: {  	v10 =	vld [tilespmem:s30+$0xFFFFFFF0]  }
0x52: {  	v11 =	vld [tilespmem:s30+$0x0]  }
0x53: {  	v14 =	vld.idx.msk [tilespmem:v2+s4+$0x0], $0xffff  }
0x54: {  	v9 =	vld.idx.msk [tilespmem:v9+s4+$0x0], $0xffff;
	v3 =	vmul.f32 v5, v3  }
0x55: {  	s1 =	sadd.s32 $0x18700, s0;
	v15 =	vld.idx.msk [tilespmem:v1+s4+$0x0], $0xffff;
	v5 =	vmul.f32 v6, v8  }
0x56: {  	s6 =	simm.s32 $0x60;
	v6 =	vld [tilespmem:s1+$0x80];
	v3 =	vmul.f32 v3, v10  }
0x57: {  	s7 =	simm.s32 $0xC0;
	s9 =	simm.s32 $0x70;
	s10 =	simm.s32 $0xA0;
	v5 =	vmul.f32 v5, v11;
	v11 =	vld.idx.msk [tilespmem:v16+s4+$0x0], $0xffff  }
0x58: {  	s0 =	sand.u32 $0x70, s6;
	s30 =	simm.s32 $0xE0;
	s1 =	sand.u32 $0x3F00, s7;
	[tilespmem:v4+s20+$0x0] =	vst.idx.add.f32.msk $0xffff, v3  }
0x59: {  	s2 =	sand.u32 $0x70, s9;
	s30 =	sand.u32 $0x3F00, s30;
	s0 =	sor.u32 s0, s1;
	[tilespmem:v12+s20+$0x0] =	vst.idx.add.f32.msk $0xffff, v5  }
0x5a: {  	s22 =	simm.s32 $0x50;
	s2 =	sor.u32 s2, s30;
	s30 =	sadd.s32 $0x18700, s0;
	v3 =	vld [tilespmem:s0+$0x18700]  }
0x5b: {  	s11 =	simm.s32 $0x80;
	s22 =	sand.u32 $0x70, s22;
	s1 =	sand.u32 $0x1F00, s10;
	v4 =	vld [tilespmem:s30+$0x80]  }
0x5c: {  	s31 =	simm.s32 $0x100;
	s1 =	sor.u32 s22, s1;
	s30 =	sadd.s32 $0x18700, s2;
	v5 =	vld [tilespmem:s2+$0x18700]  }
0x5d: {  	s31 =	sand.u32 $0x3F00, s31;
	s0 =	sand.u32 $0x70, s11;
	v10 =	vld [tilespmem:s30+$0x80];
	s30 =	sadd.s32 $0x18700, s1  }
0x5e: {  	s0 =	sor.u32 s0, s31;
	v18 =	vld [tilespmem:s30+$0x80]  }
0x5f: {  	v8 =	vld [tilespmem:s0+$0x18700]  }
0x60: {  	s23 =	sadd.s32 $0x18700, s0;
	v6 =	vld.idx.msk [tilespmem:v6+s4+$0x0], $0xffff  }
0x61: {  	s30 =	simm.s32 $0x19B70;
	v17 =	vld [tilespmem:s23+$0x80]  }
0x62: {  	v21 =	vld [tilespmem:s30+$0x20]  }
0x63: {  	v63 =	vmul.f32 v9, v14;
	v9 =	vld [tilespmem:s30+$0xFFFFFFE0]  }
0x64: {  	v13 =	vld.idx.msk [tilespmem:v4+s4+$0x0], $0xffff  }
0x65: {  	v11 =	vmul.f32 v6, v11;
	v6 =	vld [tilespmem:s1+$0x18700]  }
0x66: {  	v12 =	vld.idx.msk [tilespmem:v10+s4+$0x0], $0xffff  }
0x67: {  	v10 =	vld.idx.msk [tilespmem:v18+s4+$0x0], $0xffff  }
0x68: {  	v18 =	vld.idx.msk [tilespmem:v3+s4+$0x0], $0xffff  }
0x69: {  	v4 =	vmul.f32 v11, v21;
	v11 =	vld.idx.msk [tilespmem:v17+s4+$0x0], $0xffff  }
0x6a: {  	v17 =	vld.idx.msk [tilespmem:v5+s4+$0x0], $0xffff  }
0x6b: {  	[tilespmem:v16+s20+$0x0] =	vst.idx.add.f32.msk $0xffff, v4  }
0x6c: {  	v16 =	vld.idx.msk [tilespmem:v8+s4+$0x0], $0xffff;
	v4 =	vmul.f32 v7, v15  }
0x6d: {  	v14 =	vld.idx.msk [tilespmem:v6+s4+$0x0], $0xffff  }
0x6e: {  	s2 =	simm.s32 $0x140;
	s31 =	simm.s32 $0x5;
	s0 =	simm.s32 $0xA0;
	v7 =	vmul.f32 v63, v20;
	v15 =	vld [tilespmem:s30+$0xFFFFFFF0];
	v4 =	vmul.f32 v4, v19  }
.LBB2_5:
0x6f: {  	s1 =	sadd.s32 $0x40, s0;
	s22 =	sadd.s32 $0x80, s2;
	s31 =	sadd.s32 $0x5, s31;
	v13 =	vmul.f32 v13, v18;
	v18 =	vld [tilespmem:s30+$0x0]  }
0x70: {  	v12 =	vmul.f32 v12, v17;
	s1 =	sand.u32 $0x70, s1;
	s22 =	sand.u32 $0x3F00, s22;
	p1 =	slt.u32 s31, $0x9B;
	v17 =	vld [tilespmem:s30+$0x10]  }
0x71: {  	s23 =	sadd.s32 $0x10, s0;
	s6 =	sadd.s32 $0x20, s2;
	v11 =	vmul.f32 v11, v16;
	s1 =	sor.u32 s1, s22;
	[tilespmem:v2+s20+$0x0] =	vst.idx.add.f32.msk $0xffff, v7;
	v2 =	vmov v8  }
0x72: {  	s7 =	sadd.s32 $0x40, s2;
	s22 =	sadd.s32 $0x20, s0;
	v7 =	vmul.f32 v10, v14;
	s9 =	sadd.s32 $0x18700, s1;
	v16 =	vld [tilespmem:s1+$0x18700]  }
0x73: {  	s10 =	sadd.s32 $0x60, s2;
	s1 =	sand.u32 $0x70, s23;
	s23 =	sadd.s32 $0x30, s0;
	v8 =	vld [tilespmem:s9+$0x80];
	v10 =	vmul.f32 v13, v15  }
0x74: {  	s6 =	sand.u32 $0x3F00, s6;
	s7 =	sand.u32 $0x3F00, s7;
	s9 =	sand.u32 $0x70, s22;
	v12 =	vmul.f32 v12, v18;
	[tilespmem:v1+s20+$0x0] =	vst.idx.add.f32.msk $0xffff, v4;
	v4 =	vmul.f32 v7, v9;
	v1 =	vmov v6  }
0x75: {  	s10 =	sand.u32 $0x3F00, s10;
	s22 =	sand.u32 $0x1F00, s2;
	s23 =	sand.u32 $0x70, s23;
	[tilespmem:v3+s20+$0x0] =	vst.idx.add.f32.msk $0xffff, v10;
	v7 =	vmul.f32 v11, v17  }
0x76: {  	s11 =	sand.u32 $0x70, s0;
	s1 =	sor.u32 s1, s6;
	s6 =	sor.u32 s9, s7;
	[tilespmem:v5+s20+$0x0] =	vst.idx.add.f32.msk $0xffff, v12  }
0x77: {  	s7 =	sor.u32 s11, s22;
	s9 =	sadd.s32 $0x18700, s1;
	v3 =	vld [tilespmem:s1+$0x18700];
	s1 =	sor.u32 s23, s10  }
0x78: {  	s10 =	sadd.s32 $0x18700, s7;
	v9 =	vld [tilespmem:s9+$0x80];
	s9 =	sadd.s32 $0x18700, s6;
	s11 =	sadd.s32 $0x18700, s1  }
0x79: {  	v10 =	vld [tilespmem:s9+$0x80]  }
0x7a: {  	v11 =	vld.idx.msk [tilespmem:v16+s4+$0x0], $0xffff  }
0x7b: {  	v12 =	vld.idx.msk [tilespmem:v8+s4+$0x0], $0xffff  }
0x7c: {  	v14 =	vld [tilespmem:s11+$0x80]  }
0x7d: {  	s30 =	sadd.s32 $0x50, s30;
	v15 =	vld [tilespmem:s10+$0x80]  }
0x7e: {  	v17 =	vld [tilespmem:s30+$0x20]  }
0x7f: {  	v5 =	vld [tilespmem:s6+$0x18700]  }
0x80: {  	v8 =	vld [tilespmem:s1+$0x18700]  }
0x81: {  	v11 =	vmul.f32 v12, v11;
	v6 =	vld [tilespmem:s7+$0x18700]  }
0x82: {  	v13 =	vld.idx.msk [tilespmem:v9+s4+$0x0], $0xffff  }
0x83: {  	v12 =	vld.idx.msk [tilespmem:v10+s4+$0x0], $0xffff;
	v9 =	vmul.f32 v11, v17  }
0x84: {  	v11 =	vld.idx.msk [tilespmem:v14+s4+$0x0], $0xffff  }
0x85: {  	[tilespmem:v16+s20+$0x0] =	vst.idx.add.f32.msk $0xffff, v9  }
0x86: {  	v10 =	vld.idx.msk [tilespmem:v15+s4+$0x0], $0xffff  }
0x87: {  	v18 =	vld.idx.msk [tilespmem:v3+s4+$0x0], $0xffff  }
.Ltmp3:
0x88: {  	v17 =	vld.idx.msk [tilespmem:v5+s4+$0x0], $0xffff;
	(pc) =	sbr.rel @p1 .LBB2_5-.Ltmp3, $4  }
0x89: {  	v16 =	vld.idx.msk [tilespmem:v8+s4+$0x0], $0xffff  }
0x8a: {  	v14 =	vld.idx.msk [tilespmem:v6+s4+$0x0], $0xffff  }
0x8b: {  	v9 =	vld [tilespmem:s30+$0xFFFFFFE0]  }
0x8c: {  	s0 =	sadd.s32 $0x50, s0;
	s2 =	sadd.s32 $0xA0, s2;
	v15 =	vld [tilespmem:s30+$0xFFFFFFF0]  }
0x8d: {  	v19 =	vld [tilespmem:s30+$0x0]  }
0x8e: {  	v20 =	vld [tilespmem:s30+$0x10]  }
0x8f: {  	v13 =	vmul.f32 v13, v18  }
0x90: {  	v12 =	vmul.f32 v12, v17  }
0x91: {  	[tilespmem:v2+s20+$0x0] =	vst.idx.add.f32.msk $0xffff, v7;
	v11 =	vmul.f32 v11, v16;
	v2 =	vmul.f32 v13, v15  }
0x92: {  	[tilespmem:v1+s20+$0x0] =	vst.idx.add.f32.msk $0xffff, v4;
	v7 =	vmul.f32 v10, v14;
	v10 =	vmul.f32 v12, v19  }
0x93: {  	v1 =	vmul.f32 v11, v20;
	[tilespmem:v3+s20+$0x0] =	vst.idx.add.f32.msk $0xffff, v2  }
0x94: {  	v2 =	vmul.f32 v7, v9;
	[tilespmem:v5+s20+$0x0] =	vst.idx.add.f32.msk $0xffff, v10  }
0x95: {  	[tilespmem:v8+s20+$0x0] =	vst.idx.add.f32.msk $0xffff, v1  }
0x96: {  	[tilespmem:v6+s20+$0x0] =	vst.idx.add.f32.msk $0xffff, v2  }
0x97: {  	_ =	swait.ge [sflag:s21], $0x1400  }
0x98: {  	[sflag:s21] =	ssyncset.done $0x0  }
0x99: {  	s0 =	sadd.s32 s8, s29;
	[sflag:s21] =	ssyncadd.s32 $0xFFFFEC00  }
0x9a: {  	s2 =	simm.s32 $0x0;
	s1 =	smul.u32 $0x280, s0;
	_ =	swait.ge [sflag:s21], $0xA00  }
0x9b: {  	s10 =	simm.s32 $0x40;
	s11 =	simm.s32 $0x80;
	[sflag:s21] =	ssyncset.done $0x0  }
0x9c: {  	s0 =	smul.u32 $0x140, s0;
	s1 =	sadd.s32 s3, s1;
	[sflag:s21] =	ssyncadd.s32 $0xFFFFF600  }
0x9d: {  	[tilespmem:s14], [sflag:$0x2] =	stream.linear.gather [hbm4b:s1+s2], $0x1400, $0x38;
	[tilespmem:$0x1C300] =	vst v63  }
0x9e: {  	s22 =	simm.s32 $0x10;
	s6 =	sand.u32 $0x70, s10;
	s1 =	sand.u32 $0x3F00, s11  }
0x9f: {  	s23 =	simm.s32 $0x20;
	s0 =	sadd.s32 s5, s0;
	s1 =	sor.u32 s6, s1  }
0xa0: {  	[tilespmem:s15], [sflag:$0x2] =	stream.linear.gather [hbm4b:s0+s2], $0xA00, $0x38;
	[tilespmem:$0x1C300] =	vst v63  }
0xa1: {  	s29 =	simm.s32 $0x1B970;
	s7 =	sand.u32 $0x3F00, s23;
	s6 =	sadd.s32 $0x1A500, s1;
	v3 =	vld [tilespmem:s1+$0x1A500]  }
0xa2: {  	s11 =	sand.u32 $0x1F00, s2;
	s2 =	sand.u32 $0x70, s2;
	v1 =	vld [tilespmem:s6+$0x80];
	s1 =	sand.u32 $0x70, s22  }
0xa3: {  	s2 =	sor.u32 s2, s11;
	v21 =	vld [tilespmem:s29+$0x20];
	s1 =	sor.u32 s1, s7  }
0xa4: {  	s0 =	sand.u32 $0x3F00, s10;
	s6 =	sand.u32 $0x70, s23;
	s23 =	sadd.s32 $0x1A500, s2;
	v4 =	vld [tilespmem:s1+$0x1A500]  }
0xa5: {  	s0 =	sor.u32 s6, s0;
	v10 =	vld [tilespmem:s23+$0x80]  }
0xa6: {  	s31 =	sadd.s32 $0x1A500, s1;
	v12 =	vld [tilespmem:s0+$0x1A500]  }
0xa7: {  	s9 =	simm.s32 $0x60;
	s7 =	simm.s32 $0x30;
	s10 =	sadd.s32 $0x1A500, s0;
	v5 =	vld [tilespmem:s31+$0x80]  }
0xa8: {  	s1 =	sand.u32 $0x70, s7;
	s7 =	sand.u32 $0x3F00, s9;
	v6 =	vld [tilespmem:s10+$0x80];
	s31 =	simm.s32 $0x1B920  }
0xa9: {  	s1 =	sor.u32 s1, s7;
	v11 =	vld [tilespmem:s31+$0x20]  }
0xaa: {  	v2 =	vld [tilespmem:s1+$0x1A500]  }
0xab: {  	s22 =	sadd.s32 $0x1A500, s1;
	v19 =	vld [tilespmem:s31+$0xFFFFFFE0]  }
0xac: {  	v9 =	vld [tilespmem:s22+$0x80]  }
0xad: {  	v7 =	vld.idx.msk [tilespmem:v3+s4+$0x0], $0xffff  }
0xae: {  	v8 =	vld.idx.msk [tilespmem:v1+s4+$0x0], $0xffff  }
0xaf: {  	v20 =	vld [tilespmem:s31+$0x10]  }
0xb0: {  	s7 =	simm.s32 $0x120;
	v1 =	vld [tilespmem:s2+$0x1A500];
	s2 =	simm.s32 $0x90  }
0xb1: {  	s1 =	sand.u32 $0x3F00, s7;
	s0 =	sand.u32 $0x70, s2;
	v5 =	vld.idx.msk [tilespmem:v5+s4+$0x0], $0xffff  }
0xb2: {  	s0 =	sor.u32 s0, s1;
	v6 =	vld.idx.msk [tilespmem:v6+s4+$0x0], $0xffff  }
0xb3: {  	v16 =	vld [tilespmem:s0+$0x1A500];
	v7 =	vmul.f32 v8, v7  }
0xb4: {  	v14 =	vld.idx.msk [tilespmem:v2+s4+$0x0], $0xffff  }
0xb5: {  	v9 =	vld.idx.msk [tilespmem:v9+s4+$0x0], $0xffff;
	v7 =	vmul.f32 v7, v11  }
0xb6: {  	v8 =	vld.idx.msk [tilespmem:v12+s4+$0x0], $0xffff  }
0xb7: {  	[tilespmem:v3+s20+$0x0] =	vst.idx.add.f32.msk $0xffff, v7  }
0xb8: {  	v3 =	vld.idx.msk [tilespmem:v4+s4+$0x0], $0xffff  }
0xb9: {  	v7 =	vld.idx.msk [tilespmem:v10+s4+$0x0], $0xffff  }
0xba: {  	v10 =	vld [tilespmem:s31+$0xFFFFFFF0]  }
0xbb: {  	s11 =	simm.s32 $0x70;
	s22 =	simm.s32 $0xE0;
	v11 =	vld [tilespmem:s31+$0x0]  }
0xbc: {  	s6 =	sand.u32 $0x3F00, s22;
	s2 =	sand.u32 $0x70, s11;
	v15 =	vld.idx.msk [tilespmem:v1+s4+$0x0], $0xffff  }
0xbd: {  	s2 =	sor.u32 s2, s6;
	s1 =	sadd.s32 $0x1A500, s0;
	v63 =	vmul.f32 v9, v14;
	v9 =	vld [tilespmem:s29+$0xFFFFFFE0];
	v3 =	vmul.f32 v5, v3  }
0xbe: {  	s11 =	sadd.s32 $0x1A500, s2;
	v5 =	vmul.f32 v6, v8;
	v6 =	vld [tilespmem:s1+$0x80]  }
0xbf: {  	s9 =	simm.s32 $0x60;
	v3 =	vmul.f32 v3, v10;
	v10 =	vld [tilespmem:s11+$0x80]  }
0xc0: {  	s23 =	simm.s32 $0xA0;
	s10 =	simm.s32 $0xC0;
	s7 =	simm.s32 $0x80;
	v5 =	vmul.f32 v5, v11;
	v11 =	vld.idx.msk [tilespmem:v16+s4+$0x0], $0xffff  }
0xc1: {  	s0 =	sand.u32 $0x70, s9;
	s9 =	simm.s32 $0x50;
	s1 =	sand.u32 $0x3F00, s10;
	[tilespmem:v4+s20+$0x0] =	vst.idx.add.f32.msk $0xffff, v3  }
0xc2: {  	s22 =	sand.u32 $0x70, s9;
	s0 =	sor.u32 s0, s1;
	s1 =	sand.u32 $0x1F00, s23;
	[tilespmem:v12+s20+$0x0] =	vst.idx.add.f32.msk $0xffff, v5  }
0xc3: {  	s10 =	simm.s32 $0x100;
	s31 =	sadd.s32 $0x1A500, s0;
	s1 =	sor.u32 s22, s1;
	v3 =	vld [tilespmem:s0+$0x1A500]  }
0xc4: {  	v4 =	vld [tilespmem:s31+$0x80];
	s0 =	sand.u32 $0x70, s7;
	s7 =	sand.u32 $0x3F00, s10;
	s31 =	sadd.s32 $0x1A500, s1  }
0xc5: {  	s0 =	sor.u32 s0, s7;
	v18 =	vld [tilespmem:s31+$0x80]  }
0xc6: {  	s23 =	sadd.s32 $0x1A500, s0;
	v6 =	vld.idx.msk [tilespmem:v6+s4+$0x0], $0xffff  }
0xc7: {  	v17 =	vld [tilespmem:s23+$0x80]  }
0xc8: {  	v5 =	vld [tilespmem:s2+$0x1A500]  }
0xc9: {  	v8 =	vld [tilespmem:s0+$0x1A500]  }
0xca: {  	v12 =	vld.idx.msk [tilespmem:v10+s4+$0x0], $0xffff  }
0xcb: {  	v11 =	vmul.f32 v6, v11;
	v6 =	vld [tilespmem:s1+$0x1A500]  }
0xcc: {  	v13 =	vld.idx.msk [tilespmem:v4+s4+$0x0], $0xffff  }
0xcd: {  	v10 =	vld.idx.msk [tilespmem:v18+s4+$0x0], $0xffff  }
0xce: {  	v18 =	vld.idx.msk [tilespmem:v3+s4+$0x0], $0xffff  }
0xcf: {  	v4 =	vmul.f32 v11, v21;
	v11 =	vld.idx.msk [tilespmem:v17+s4+$0x0], $0xffff  }
0xd0: {  	v17 =	vld.idx.msk [tilespmem:v5+s4+$0x0], $0xffff  }
0xd1: {  	[tilespmem:v16+s20+$0x0] =	vst.idx.add.f32.msk $0xffff, v4  }
0xd2: {  	v16 =	vld.idx.msk [tilespmem:v8+s4+$0x0], $0xffff;
	v4 =	vmul.f32 v7, v15  }
0xd3: {  	v14 =	vld.idx.msk [tilespmem:v6+s4+$0x0], $0xffff  }
0xd4: {  	s30 =	simm.s32 $0x5;
	s2 =	simm.s32 $0x140;
	s0 =	simm.s32 $0xA0;
	v7 =	vmul.f32 v63, v20;
	v15 =	vld [tilespmem:s29+$0xFFFFFFF0];
	v4 =	vmul.f32 v4, v19  }
.LBB2_7:
0xd5: {  	s1 =	sadd.s32 $0x40, s0;
	s6 =	sadd.s32 $0x80, s2;
	s30 =	sadd.s32 $0x5, s30;
	v13 =	vmul.f32 v13, v18;
	v18 =	vld [tilespmem:s29+$0x0]  }
0xd6: {  	v12 =	vmul.f32 v12, v17;
	s1 =	sand.u32 $0x70, s1;
	s6 =	sand.u32 $0x3F00, s6;
	p1 =	slt.u32 s30, $0x9B;
	v17 =	vld [tilespmem:s29+$0x10]  }
0xd7: {  	s7 =	sadd.s32 $0x10, s0;
	s9 =	sadd.s32 $0x20, s2;
	v11 =	vmul.f32 v11, v16;
	s1 =	sor.u32 s1, s6;
	[tilespmem:v2+s20+$0x0] =	vst.idx.add.f32.msk $0xffff, v7;
	v2 =	vmov v8  }
0xd8: {  	s10 =	sadd.s32 $0x40, s2;
	s6 =	sadd.s32 $0x20, s0;
	v7 =	vmul.f32 v10, v14;
	s11 =	sadd.s32 $0x1A500, s1;
	v16 =	vld [tilespmem:s1+$0x1A500]  }
0xd9: {  	s22 =	sadd.s32 $0x60, s2;
	s1 =	sand.u32 $0x70, s7;
	s7 =	sadd.s32 $0x30, s0;
	v8 =	vld [tilespmem:s11+$0x80];
	v10 =	vmul.f32 v13, v15  }
0xda: {  	s9 =	sand.u32 $0x3F00, s9;
	s10 =	sand.u32 $0x3F00, s10;
	s6 =	sand.u32 $0x70, s6;
	v12 =	vmul.f32 v12, v18;
	[tilespmem:v1+s20+$0x0] =	vst.idx.add.f32.msk $0xffff, v4;
	v4 =	vmul.f32 v7, v9;
	v1 =	vmov v6  }
0xdb: {  	s22 =	sand.u32 $0x3F00, s22;
	s11 =	sand.u32 $0x1F00, s2;
	s7 =	sand.u32 $0x70, s7;
	[tilespmem:v3+s20+$0x0] =	vst.idx.add.f32.msk $0xffff, v10;
	v7 =	vmul.f32 v11, v17  }
0xdc: {  	s23 =	sand.u32 $0x70, s0;
	s1 =	sor.u32 s1, s9;
	s6 =	sor.u32 s6, s10;
	[tilespmem:v5+s20+$0x0] =	vst.idx.add.f32.msk $0xffff, v12  }
0xdd: {  	s9 =	sor.u32 s23, s11;
	s10 =	sadd.s32 $0x1A500, s1;
	v3 =	vld [tilespmem:s1+$0x1A500];
	s1 =	sor.u32 s7, s22  }
0xde: {  	s7 =	sadd.s32 $0x1A500, s9;
	v9 =	vld [tilespmem:s10+$0x80];
	s10 =	sadd.s32 $0x1A500, s6;
	s11 =	sadd.s32 $0x1A500, s1  }
0xdf: {  	v10 =	vld [tilespmem:s10+$0x80]  }
0xe0: {  	v11 =	vld.idx.msk [tilespmem:v16+s4+$0x0], $0xffff  }
0xe1: {  	v12 =	vld.idx.msk [tilespmem:v8+s4+$0x0], $0xffff  }
0xe2: {  	v14 =	vld [tilespmem:s11+$0x80]  }
0xe3: {  	s29 =	sadd.s32 $0x50, s29;
	v15 =	vld [tilespmem:s7+$0x80]  }
0xe4: {  	v17 =	vld [tilespmem:s29+$0x20]  }
0xe5: {  	v5 =	vld [tilespmem:s6+$0x1A500]  }
0xe6: {  	v8 =	vld [tilespmem:s1+$0x1A500]  }
0xe7: {  	v11 =	vmul.f32 v12, v11;
	v6 =	vld [tilespmem:s9+$0x1A500]  }
0xe8: {  	v13 =	vld.idx.msk [tilespmem:v9+s4+$0x0], $0xffff  }
0xe9: {  	v12 =	vld.idx.msk [tilespmem:v10+s4+$0x0], $0xffff;
	v9 =	vmul.f32 v11, v17  }
0xea: {  	v11 =	vld.idx.msk [tilespmem:v14+s4+$0x0], $0xffff  }
0xeb: {  	[tilespmem:v16+s20+$0x0] =	vst.idx.add.f32.msk $0xffff, v9  }
0xec: {  	v10 =	vld.idx.msk [tilespmem:v15+s4+$0x0], $0xffff  }
0xed: {  	v18 =	vld.idx.msk [tilespmem:v3+s4+$0x0], $0xffff  }
.Ltmp4:
0xee: {  	v17 =	vld.idx.msk [tilespmem:v5+s4+$0x0], $0xffff;
	(pc) =	sbr.rel @p1 .LBB2_7-.Ltmp4, $4  }
0xef: {  	v16 =	vld.idx.msk [tilespmem:v8+s4+$0x0], $0xffff  }
0xf0: {  	v14 =	vld.idx.msk [tilespmem:v6+s4+$0x0], $0xffff  }
0xf1: {  	v9 =	vld [tilespmem:s29+$0xFFFFFFE0]  }
0xf2: {  	s0 =	sadd.s32 $0x50, s0;
	s2 =	sadd.s32 $0xA0, s2;
	v15 =	vld [tilespmem:s29+$0xFFFFFFF0]  }
0xf3: {  	v19 =	vld [tilespmem:s29+$0x0]  }
0xf4: {  	v20 =	vld [tilespmem:s29+$0x10]  }
0xf5: {  	v13 =	vmul.f32 v13, v18  }
0xf6: {  	v12 =	vmul.f32 v12, v17;
	s28 =	sadd.s32 $0x1, s28  }
0xf7: {  	[tilespmem:v2+s20+$0x0] =	vst.idx.add.f32.msk $0xffff, v7;
	v11 =	vmul.f32 v11, v16;
	p1 =	sne.s32 s28, $0x9;
	v2 =	vmul.f32 v13, v15  }
.Ltmp5:
0xf8: {  	[tilespmem:v1+s20+$0x0] =	vst.idx.add.f32.msk $0xffff, v4;
	v62 =	vmul.f32 v10, v14;
	v63 =	vmul.f32 v12, v19;
	(pc) =	sbr.rel @p1 .LBB2_4-.Ltmp5, $4  }
0xf9: {  	v1 =	vmul.f32 v11, v20;
	[tilespmem:v3+s20+$0x0] =	vst.idx.add.f32.msk $0xffff, v2  }
0xfa: {  	v2 =	vmul.f32 v62, v9;
	[tilespmem:v5+s20+$0x0] =	vst.idx.add.f32.msk $0xffff, v63  }
0xfb: {  	[tilespmem:v8+s20+$0x0] =	vst.idx.add.f32.msk $0xffff, v1  }
0xfc: {  	[tilespmem:v6+s20+$0x0] =	vst.idx.add.f32.msk $0xffff, v2  }
0xfd: {  	_ =	swait.ge [sflag:s17], $0x1400  }
0xfe: {  	[sflag:s17] =	ssyncset.done $0x0  }
0xff: {  	[sflag:s17] =	ssyncadd.s32 $0xFFFFEC00  }
0x100: {  	_ =	swait.ge [sflag:s17], $0xA00  }
0x101: {  	s0 =	simm.s32 @!p0 $0x0;
	[sflag:s17] =	ssyncset.done $0x0  }
0x102: {  	s1 =	simm.s32 @!p0 $0x1A500;
	s2 =	rddreg [dreg:$0x6];
	[sflag:s17] =	ssyncadd.s32 $0xFFFFF600  }
0x103: {  	[tilespmem:s1], [sflag:$0x3] =	stream.linear.gather @!p0 [hbm4b:s2+s0], $0x1400, $0x38;
	[tilespmem:$0x1C300] =	vst v63  }
0x104: {  	s1 =	simm.s32 @!p0 $0x1B900;
	s2 =	rddreg [dreg:$0x7]  }
0x105: {  	[tilespmem:s1], [sflag:$0x3] =	stream.linear.gather @!p0 [hbm4b:s2+s0], $0xA00, $0x38;
	[tilespmem:$0x1C300] =	vst v63  }
0x106: {  	s31 =	simm.s32 $0x40;
	s29 =	simm.s32 $0x19B20;
	s2 =	simm.s32 $0x80  }
0x107: {  	s6 =	sand.u32 $0x70, s31;
	s1 =	sand.u32 $0x3F00, s2;
	v11 =	vld [tilespmem:s29+$0x20]  }
0x108: {  	v19 =	vld [tilespmem:s29+$0xFFFFFFE0];
	s1 =	sor.u32 s6, s1  }
0x109: {  	s7 =	simm.s32 $0x10;
	s9 =	simm.s32 $0x20;
	s2 =	sadd.s32 $0x18700, s1;
	v3 =	vld [tilespmem:s1+$0x18700]  }
0x10a: {  	s6 =	sand.u32 $0x3F00, s9;
	s1 =	sand.u32 $0x70, s7;
	v1 =	vld [tilespmem:s2+$0x80]  }
0x10b: {  	s0 =	sand.u32 $0x3F00, s31;
	v20 =	vld [tilespmem:s29+$0x10];
	s1 =	sor.u32 s1, s6  }
0x10c: {  	s7 =	simm.s32 $0x0;
	s2 =	sand.u32 $0x70, s9;
	s10 =	sadd.s32 $0x18700, s1;
	v4 =	vld [tilespmem:s1+$0x18700]  }
0x10d: {  	s26 =	sand.u32 $0x1F00, s7;
	s7 =	sand.u32 $0x70, s7;
	s0 =	sor.u32 s2, s0;
	v5 =	vld [tilespmem:s10+$0x80]  }
0x10e: {  	s2 =	sor.u32 s7, s26;
	s23 =	sadd.s32 $0x18700, s0;
	v12 =	vld [tilespmem:s0+$0x18700]  }
0x10f: {  	s7 =	sadd.s32 $0x18700, s2;
	v6 =	vld [tilespmem:s23+$0x80]  }
0x110: {  	s11 =	simm.s32 $0x30;
	s22 =	simm.s32 $0x60;
	v10 =	vld [tilespmem:s7+$0x80]  }
0x111: {  	s6 =	sand.u32 $0x3F00, s22;
	s1 =	sand.u32 $0x70, s11;
	v7 =	vld.idx.msk [tilespmem:v3+s4+$0x0], $0xffff  }
0x112: {  	s30 =	simm.s32 $0x90;
	s31 =	simm.s32 $0x120;
	s1 =	sor.u32 s1, s6;
	v8 =	vld.idx.msk [tilespmem:v1+s4+$0x0], $0xffff  }
0x113: {  	s0 =	sand.u32 $0x70, s30;
	s6 =	sadd.s32 $0x18700, s1;
	v2 =	vld [tilespmem:s1+$0x18700];
	s1 =	sand.u32 $0x3F00, s31  }
0x114: {  	v9 =	vld [tilespmem:s6+$0x80];
	s0 =	sor.u32 s0, s1  }
0x115: {  	v16 =	vld [tilespmem:s0+$0x18700]  }
0x116: {  	v1 =	vld [tilespmem:s2+$0x18700]  }
0x117: {  	v5 =	vld.idx.msk [tilespmem:v5+s4+$0x0], $0xffff;
	v7 =	vmul.f32 v8, v7  }
0x118: {  	v6 =	vld.idx.msk [tilespmem:v6+s4+$0x0], $0xffff  }
0x119: {  	v8 =	vld.idx.msk [tilespmem:v12+s4+$0x0], $0xffff;
	v7 =	vmul.f32 v7, v11  }
0x11a: {  	v11 =	vld [tilespmem:s29+$0x0]  }
0x11b: {  	[tilespmem:v3+s20+$0x0] =	vst.idx.add.f32.msk $0xffff, v7  }
0x11c: {  	v3 =	vld.idx.msk [tilespmem:v4+s4+$0x0], $0xffff  }
0x11d: {  	v7 =	vld.idx.msk [tilespmem:v10+s4+$0x0], $0xffff  }
0x11e: {  	v10 =	vld [tilespmem:s29+$0xFFFFFFF0]  }
0x11f: {  	s9 =	simm.s32 $0xE0;
	s7 =	simm.s32 $0x70;
	s2 =	simm.s32 $0x60;
	v14 =	vld.idx.msk [tilespmem:v2+s4+$0x0], $0xffff  }
0x120: {  	s6 =	simm.s32 $0xC0;
	s1 =	sadd.s32 $0x18700, s0;
	s0 =	sand.u32 $0x70, s2;
	v9 =	vld.idx.msk [tilespmem:v9+s4+$0x0], $0xffff  }
0x121: {  	s2 =	sand.u32 $0x70, s7;
	v3 =	vmul.f32 v5, v3;
	v5 =	vmul.f32 v6, v8;
	v6 =	vld [tilespmem:s1+$0x80];
	s1 =	sand.u32 $0x3F00, s6;
	s6 =	sand.u32 $0x3F00, s9  }
0x122: {  	v15 =	vld.idx.msk [tilespmem:v1+s4+$0x0], $0xffff;
	s2 =	sor.u32 s2, s6  }
0x123: {  	v3 =	vmul.f32 v3, v10;
	v5 =	vmul.f32 v5, v11;
	s26 =	sadd.s32 $0x18700, s2;
	v11 =	vld.idx.msk [tilespmem:v16+s4+$0x0], $0xffff  }
0x124: {  	v10 =	vld [tilespmem:s26+$0x80]  }
0x125: {  	s10 =	simm.s32 $0xA0;
	s9 =	simm.s32 $0x50;
	[tilespmem:v4+s20+$0x0] =	vst.idx.add.f32.msk $0xffff, v3  }
0x126: {  	s0 =	sor.u32 s0, s1;
	s1 =	sand.u32 $0x1F00, s10;
	s29 =	sand.u32 $0x70, s9;
	[tilespmem:v12+s20+$0x0] =	vst.idx.add.f32.msk $0xffff, v5  }
0x127: {  	s11 =	sadd.s32 $0x18700, s0;
	s1 =	sor.u32 s29, s1;
	v3 =	vld [tilespmem:s0+$0x18700]  }
0x128: {  	s31 =	sadd.s32 $0x18700, s1;
	v4 =	vld [tilespmem:s11+$0x80]  }
0x129: {  	s22 =	simm.s32 $0x80;
	s23 =	simm.s32 $0x100;
	s26 =	simm.s32 $0x19B70;
	v18 =	vld [tilespmem:s31+$0x80]  }
0x12a: {  	s7 =	sand.u32 $0x3F00, s23;
	s0 =	sand.u32 $0x70, s22;
	v21 =	vld [tilespmem:s26+$0x20]  }
0x12b: {  	v5 =	vld [tilespmem:s2+$0x18700];
	s0 =	sor.u32 s0, s7  }
0x12c: {  	s30 =	sadd.s32 $0x18700, s0;
	v6 =	vld.idx.msk [tilespmem:v6+s4+$0x0], $0xffff  }
0x12d: {  	v17 =	vld [tilespmem:s30+$0x80]  }
0x12e: {  	v63 =	vmul.f32 v9, v14;
	v9 =	vld [tilespmem:s26+$0xFFFFFFE0]  }
0x12f: {  	v8 =	vld [tilespmem:s0+$0x18700]  }
0x130: {  	v12 =	vld.idx.msk [tilespmem:v10+s4+$0x0], $0xffff  }
0x131: {  	v11 =	vmul.f32 v6, v11;
	v6 =	vld [tilespmem:s1+$0x18700]  }
0x132: {  	v13 =	vld.idx.msk [tilespmem:v4+s4+$0x0], $0xffff  }
0x133: {  	v10 =	vld.idx.msk [tilespmem:v18+s4+$0x0], $0xffff  }
0x134: {  	v18 =	vld.idx.msk [tilespmem:v3+s4+$0x0], $0xffff  }
0x135: {  	v4 =	vmul.f32 v11, v21;
	v11 =	vld.idx.msk [tilespmem:v17+s4+$0x0], $0xffff  }
0x136: {  	v17 =	vld.idx.msk [tilespmem:v5+s4+$0x0], $0xffff  }
0x137: {  	[tilespmem:v16+s20+$0x0] =	vst.idx.add.f32.msk $0xffff, v4  }
0x138: {  	v16 =	vld.idx.msk [tilespmem:v8+s4+$0x0], $0xffff;
	v4 =	vmul.f32 v7, v15  }
0x139: {  	v14 =	vld.idx.msk [tilespmem:v6+s4+$0x0], $0xffff  }
0x13a: {  	s28 =	simm.s32 $0x5;
	s2 =	simm.s32 $0x140;
	s0 =	simm.s32 $0xA0;
	v7 =	vmul.f32 v63, v20;
	v15 =	vld [tilespmem:s26+$0xFFFFFFF0];
	v4 =	vmul.f32 v4, v19  }
.LBB2_10:
0x13b: {  	s1 =	sadd.s32 $0x40, s0;
	s6 =	sadd.s32 $0x80, s2;
	s28 =	sadd.s32 $0x5, s28;
	v13 =	vmul.f32 v13, v18;
	v18 =	vld [tilespmem:s26+$0x0]  }
0x13c: {  	v12 =	vmul.f32 v12, v17;
	s1 =	sand.u32 $0x70, s1;
	s6 =	sand.u32 $0x3F00, s6;
	p1 =	slt.u32 s28, $0x9B;
	v17 =	vld [tilespmem:s26+$0x10]  }
0x13d: {  	s7 =	sadd.s32 $0x10, s0;
	s9 =	sadd.s32 $0x20, s2;
	v11 =	vmul.f32 v11, v16;
	s1 =	sor.u32 s1, s6;
	[tilespmem:v2+s20+$0x0] =	vst.idx.add.f32.msk $0xffff, v7;
	v2 =	vmov v8  }
0x13e: {  	s10 =	sadd.s32 $0x40, s2;
	s6 =	sadd.s32 $0x20, s0;
	v7 =	vmul.f32 v10, v14;
	s11 =	sadd.s32 $0x18700, s1;
	v16 =	vld [tilespmem:s1+$0x18700]  }
0x13f: {  	s22 =	sadd.s32 $0x60, s2;
	s1 =	sand.u32 $0x70, s7;
	s7 =	sadd.s32 $0x30, s0;
	v8 =	vld [tilespmem:s11+$0x80];
	v10 =	vmul.f32 v13, v15  }
0x140: {  	s9 =	sand.u32 $0x3F00, s9;
	s10 =	sand.u32 $0x3F00, s10;
	s6 =	sand.u32 $0x70, s6;
	v12 =	vmul.f32 v12, v18;
	[tilespmem:v1+s20+$0x0] =	vst.idx.add.f32.msk $0xffff, v4;
	v4 =	vmul.f32 v7, v9;
	v1 =	vmov v6  }
0x141: {  	s22 =	sand.u32 $0x3F00, s22;
	s11 =	sand.u32 $0x1F00, s2;
	s7 =	sand.u32 $0x70, s7;
	[tilespmem:v3+s20+$0x0] =	vst.idx.add.f32.msk $0xffff, v10;
	v7 =	vmul.f32 v11, v17  }
0x142: {  	s23 =	sand.u32 $0x70, s0;
	s1 =	sor.u32 s1, s9;
	s6 =	sor.u32 s6, s10;
	[tilespmem:v5+s20+$0x0] =	vst.idx.add.f32.msk $0xffff, v12  }
0x143: {  	s9 =	sor.u32 s23, s11;
	s10 =	sadd.s32 $0x18700, s1;
	v3 =	vld [tilespmem:s1+$0x18700];
	s1 =	sor.u32 s7, s22  }
0x144: {  	s7 =	sadd.s32 $0x18700, s9;
	v9 =	vld [tilespmem:s10+$0x80];
	s10 =	sadd.s32 $0x18700, s6;
	s11 =	sadd.s32 $0x18700, s1  }
0x145: {  	v10 =	vld [tilespmem:s10+$0x80]  }
0x146: {  	v11 =	vld.idx.msk [tilespmem:v16+s4+$0x0], $0xffff  }
0x147: {  	v12 =	vld.idx.msk [tilespmem:v8+s4+$0x0], $0xffff  }
0x148: {  	v14 =	vld [tilespmem:s11+$0x80]  }
0x149: {  	s26 =	sadd.s32 $0x50, s26;
	v15 =	vld [tilespmem:s7+$0x80]  }
0x14a: {  	v17 =	vld [tilespmem:s26+$0x20]  }
0x14b: {  	v5 =	vld [tilespmem:s6+$0x18700]  }
0x14c: {  	v8 =	vld [tilespmem:s1+$0x18700]  }
0x14d: {  	v11 =	vmul.f32 v12, v11;
	v6 =	vld [tilespmem:s9+$0x18700]  }
0x14e: {  	v13 =	vld.idx.msk [tilespmem:v9+s4+$0x0], $0xffff  }
0x14f: {  	v12 =	vld.idx.msk [tilespmem:v10+s4+$0x0], $0xffff;
	v9 =	vmul.f32 v11, v17  }
0x150: {  	v11 =	vld.idx.msk [tilespmem:v14+s4+$0x0], $0xffff  }
0x151: {  	[tilespmem:v16+s20+$0x0] =	vst.idx.add.f32.msk $0xffff, v9  }
0x152: {  	v10 =	vld.idx.msk [tilespmem:v15+s4+$0x0], $0xffff  }
0x153: {  	v18 =	vld.idx.msk [tilespmem:v3+s4+$0x0], $0xffff  }
.Ltmp6:
0x154: {  	v17 =	vld.idx.msk [tilespmem:v5+s4+$0x0], $0xffff;
	(pc) =	sbr.rel @p1 .LBB2_10-.Ltmp6, $4  }
0x155: {  	v16 =	vld.idx.msk [tilespmem:v8+s4+$0x0], $0xffff  }
0x156: {  	v14 =	vld.idx.msk [tilespmem:v6+s4+$0x0], $0xffff  }
0x157: {  	v9 =	vld [tilespmem:s26+$0xFFFFFFE0]  }
0x158: {  	s0 =	sadd.s32 $0x50, s0;
	s2 =	sadd.s32 $0xA0, s2;
	v15 =	vld [tilespmem:s26+$0xFFFFFFF0]  }
0x159: {  	v19 =	vld [tilespmem:s26+$0x0]  }
0x15a: {  	v20 =	vld [tilespmem:s26+$0x10]  }
0x15b: {  	v13 =	vmul.f32 v13, v18  }
0x15c: {  	v12 =	vmul.f32 v12, v17  }
0x15d: {  	[tilespmem:v2+s20+$0x0] =	vst.idx.add.f32.msk $0xffff, v7;
	v11 =	vmul.f32 v11, v16;
	v2 =	vmul.f32 v13, v15  }
.Ltmp7:
0x15e: {  	[tilespmem:v1+s20+$0x0] =	vst.idx.add.f32.msk $0xffff, v4;
	v62 =	vmul.f32 v10, v14;
	v63 =	vmul.f32 v12, v19;
	(pc) =	sbr.rel @p0 .LBB2_15-.Ltmp7, $4  }
0x15f: {  	v1 =	vmul.f32 v11, v20;
	[tilespmem:v3+s20+$0x0] =	vst.idx.add.f32.msk $0xffff, v2  }
0x160: {  	v2 =	vmul.f32 v62, v9;
	[tilespmem:v5+s20+$0x0] =	vst.idx.add.f32.msk $0xffff, v63  }
0x161: {  	[tilespmem:v8+s20+$0x0] =	vst.idx.add.f32.msk $0xffff, v1  }
0x162: {  	[tilespmem:v6+s20+$0x0] =	vst.idx.add.f32.msk $0xffff, v2  }
0x163: {  	_ =	swait.ge [sflag:s21], $0x1400  }
0x164: {  	[sflag:s21] =	ssyncset.done $0x0  }
0x165: {  	[sflag:s21] =	ssyncadd.s32 $0xFFFFEC00  }
0x166: {  	s0 =	simm.s32 $0x40;
	s1 =	simm.s32 $0x80;
	_ =	swait.ge [sflag:s21], $0xA00  }
0x167: {  	s2 =	sand.u32 $0x70, s0;
	s1 =	sand.u32 $0x3F00, s1;
	[sflag:s21] =	ssyncset.done $0x0  }
0x168: {  	s1 =	sor.u32 s2, s1;
	[sflag:s21] =	ssyncadd.s32 $0xFFFFF600  }
0x169: {  	s2 =	sadd.s32 $0x1A500, s1;
	v3 =	vld [tilespmem:s1+$0x1A500]  }
0x16a: {  	s29 =	simm.s32 $0x1B920;
	v1 =	vld [tilespmem:s2+$0x80]  }
0x16b: {  	s7 =	simm.s32 $0x10;
	s9 =	simm.s32 $0x20;
	v11 =	vld [tilespmem:s29+$0x20]  }
0x16c: {  	s6 =	sand.u32 $0x3F00, s9;
	s1 =	sand.u32 $0x70, s7;
	v19 =	vld [tilespmem:s29+$0xFFFFFFE0]  }
0x16d: {  	s0 =	sand.u32 $0x3F00, s0;
	s2 =	sand.u32 $0x70, s9;
	v20 =	vld [tilespmem:s29+$0x10];
	s1 =	sor.u32 s1, s6  }
0x16e: {  	s7 =	simm.s32 $0x0;
	s0 =	sor.u32 s2, s0;
	v4 =	vld [tilespmem:s1+$0x1A500]  }
0x16f: {  	s26 =	sand.u32 $0x1F00, s7;
	s7 =	sand.u32 $0x70, s7;
	s10 =	sadd.s32 $0x1A500, s1;
	v12 =	vld [tilespmem:s0+$0x1A500]  }
0x170: {  	s23 =	sadd.s32 $0x1A500, s0;
	s2 =	sor.u32 s7, s26;
	v5 =	vld [tilespmem:s10+$0x80]  }
0x171: {  	v6 =	vld [tilespmem:s23+$0x80];
	s7 =	sadd.s32 $0x1A500, s2  }
0x172: {  	s11 =	simm.s32 $0x30;
	s22 =	simm.s32 $0x60;
	v10 =	vld [tilespmem:s7+$0x80]  }
0x173: {  	s6 =	sand.u32 $0x3F00, s22;
	s1 =	sand.u32 $0x70, s11;
	v7 =	vld.idx.msk [tilespmem:v3+s4+$0x0], $0xffff  }
0x174: {  	s30 =	simm.s32 $0x90;
	s31 =	simm.s32 $0x120;
	s1 =	sor.u32 s1, s6;
	v8 =	vld.idx.msk [tilespmem:v1+s4+$0x0], $0xffff  }
0x175: {  	s0 =	sand.u32 $0x70, s30;
	s6 =	sadd.s32 $0x1A500, s1;
	v2 =	vld [tilespmem:s1+$0x1A500];
	s1 =	sand.u32 $0x3F00, s31  }
0x176: {  	v9 =	vld [tilespmem:s6+$0x80];
	s0 =	sor.u32 s0, s1  }
0x177: {  	v16 =	vld [tilespmem:s0+$0x1A500]  }
0x178: {  	v1 =	vld [tilespmem:s2+$0x1A500]  }
0x179: {  	v5 =	vld.idx.msk [tilespmem:v5+s4+$0x0], $0xffff;
	v7 =	vmul.f32 v8, v7  }
0x17a: {  	v6 =	vld.idx.msk [tilespmem:v6+s4+$0x0], $0xffff  }
0x17b: {  	v8 =	vld.idx.msk [tilespmem:v12+s4+$0x0], $0xffff;
	v7 =	vmul.f32 v7, v11  }
0x17c: {  	v11 =	vld [tilespmem:s29+$0x0]  }
0x17d: {  	[tilespmem:v3+s20+$0x0] =	vst.idx.add.f32.msk $0xffff, v7  }
0x17e: {  	v3 =	vld.idx.msk [tilespmem:v4+s4+$0x0], $0xffff  }
0x17f: {  	v7 =	vld.idx.msk [tilespmem:v10+s4+$0x0], $0xffff  }
0x180: {  	v10 =	vld [tilespmem:s29+$0xFFFFFFF0]  }
0x181: {  	s9 =	simm.s32 $0xE0;
	s7 =	simm.s32 $0x70;
	s2 =	simm.s32 $0x60;
	v14 =	vld.idx.msk [tilespmem:v2+s4+$0x0], $0xffff  }
0x182: {  	s6 =	simm.s32 $0xC0;
	s1 =	sadd.s32 $0x1A500, s0;
	s0 =	sand.u32 $0x70, s2;
	v9 =	vld.idx.msk [tilespmem:v9+s4+$0x0], $0xffff  }
0x183: {  	s2 =	sand.u32 $0x70, s7;
	v3 =	vmul.f32 v5, v3;
	v5 =	vmul.f32 v6, v8;
	v6 =	vld [tilespmem:s1+$0x80];
	s1 =	sand.u32 $0x3F00, s6;
	s6 =	sand.u32 $0x3F00, s9  }
0x184: {  	v15 =	vld.idx.msk [tilespmem:v1+s4+$0x0], $0xffff;
	s2 =	sor.u32 s2, s6  }
0x185: {  	v3 =	vmul.f32 v3, v10;
	v5 =	vmul.f32 v5, v11;
	s26 =	sadd.s32 $0x1A500, s2;
	v11 =	vld.idx.msk [tilespmem:v16+s4+$0x0], $0xffff  }
0x186: {  	v10 =	vld [tilespmem:s26+$0x80]  }
0x187: {  	s10 =	simm.s32 $0xA0;
	s9 =	simm.s32 $0x50;
	[tilespmem:v4+s20+$0x0] =	vst.idx.add.f32.msk $0xffff, v3  }
0x188: {  	s0 =	sor.u32 s0, s1;
	s1 =	sand.u32 $0x1F00, s10;
	s29 =	sand.u32 $0x70, s9;
	[tilespmem:v12+s20+$0x0] =	vst.idx.add.f32.msk $0xffff, v5  }
0x189: {  	s11 =	sadd.s32 $0x1A500, s0;
	s1 =	sor.u32 s29, s1;
	v3 =	vld [tilespmem:s0+$0x1A500]  }
0x18a: {  	s31 =	sadd.s32 $0x1A500, s1;
	v4 =	vld [tilespmem:s11+$0x80]  }
0x18b: {  	s22 =	simm.s32 $0x80;
	s23 =	simm.s32 $0x100;
	s26 =	simm.s32 $0x1B970;
	v18 =	vld [tilespmem:s31+$0x80]  }
0x18c: {  	s7 =	sand.u32 $0x3F00, s23;
	s0 =	sand.u32 $0x70, s22;
	v21 =	vld [tilespmem:s26+$0x20]  }
0x18d: {  	v5 =	vld [tilespmem:s2+$0x1A500];
	s0 =	sor.u32 s0, s7  }
0x18e: {  	s30 =	sadd.s32 $0x1A500, s0;
	v6 =	vld.idx.msk [tilespmem:v6+s4+$0x0], $0xffff  }
0x18f: {  	v17 =	vld [tilespmem:s30+$0x80]  }
0x190: {  	v63 =	vmul.f32 v9, v14;
	v9 =	vld [tilespmem:s26+$0xFFFFFFE0]  }
0x191: {  	v8 =	vld [tilespmem:s0+$0x1A500]  }
0x192: {  	v12 =	vld.idx.msk [tilespmem:v10+s4+$0x0], $0xffff  }
0x193: {  	v11 =	vmul.f32 v6, v11;
	v6 =	vld [tilespmem:s1+$0x1A500]  }
0x194: {  	v13 =	vld.idx.msk [tilespmem:v4+s4+$0x0], $0xffff  }
0x195: {  	v10 =	vld.idx.msk [tilespmem:v18+s4+$0x0], $0xffff  }
0x196: {  	v18 =	vld.idx.msk [tilespmem:v3+s4+$0x0], $0xffff  }
0x197: {  	v4 =	vmul.f32 v11, v21;
	v11 =	vld.idx.msk [tilespmem:v17+s4+$0x0], $0xffff  }
0x198: {  	v17 =	vld.idx.msk [tilespmem:v5+s4+$0x0], $0xffff  }
0x199: {  	[tilespmem:v16+s20+$0x0] =	vst.idx.add.f32.msk $0xffff, v4  }
0x19a: {  	v16 =	vld.idx.msk [tilespmem:v8+s4+$0x0], $0xffff;
	v4 =	vmul.f32 v7, v15  }
0x19b: {  	v14 =	vld.idx.msk [tilespmem:v6+s4+$0x0], $0xffff  }
0x19c: {  	s28 =	simm.s32 $0x5;
	s2 =	simm.s32 $0x140;
	s0 =	simm.s32 $0xA0;
	v7 =	vmul.f32 v63, v20;
	v15 =	vld [tilespmem:s26+$0xFFFFFFF0];
	v4 =	vmul.f32 v4, v19  }
.LBB2_13:
0x19d: {  	s1 =	sadd.s32 $0x40, s0;
	s6 =	sadd.s32 $0x80, s2;
	s28 =	sadd.s32 $0x5, s28;
	v13 =	vmul.f32 v13, v18;
	v18 =	vld [tilespmem:s26+$0x0]  }
0x19e: {  	v12 =	vmul.f32 v12, v17;
	s1 =	sand.u32 $0x70, s1;
	s6 =	sand.u32 $0x3F00, s6;
	p1 =	slt.u32 s28, $0x9B;
	v17 =	vld [tilespmem:s26+$0x10]  }
0x19f: {  	s7 =	sadd.s32 $0x10, s0;
	s9 =	sadd.s32 $0x20, s2;
	v11 =	vmul.f32 v11, v16;
	s1 =	sor.u32 s1, s6;
	[tilespmem:v2+s20+$0x0] =	vst.idx.add.f32.msk $0xffff, v7;
	v2 =	vmov v8  }
0x1a0: {  	s10 =	sadd.s32 $0x40, s2;
	s6 =	sadd.s32 $0x20, s0;
	v7 =	vmul.f32 v10, v14;
	s11 =	sadd.s32 $0x1A500, s1;
	v16 =	vld [tilespmem:s1+$0x1A500]  }
0x1a1: {  	s22 =	sadd.s32 $0x60, s2;
	s1 =	sand.u32 $0x70, s7;
	s7 =	sadd.s32 $0x30, s0;
	v8 =	vld [tilespmem:s11+$0x80];
	v10 =	vmul.f32 v13, v15  }
0x1a2: {  	s9 =	sand.u32 $0x3F00, s9;
	s10 =	sand.u32 $0x3F00, s10;
	s6 =	sand.u32 $0x70, s6;
	v12 =	vmul.f32 v12, v18;
	[tilespmem:v1+s20+$0x0] =	vst.idx.add.f32.msk $0xffff, v4;
	v4 =	vmul.f32 v7, v9;
	v1 =	vmov v6  }
0x1a3: {  	s22 =	sand.u32 $0x3F00, s22;
	s11 =	sand.u32 $0x1F00, s2;
	s7 =	sand.u32 $0x70, s7;
	[tilespmem:v3+s20+$0x0] =	vst.idx.add.f32.msk $0xffff, v10;
	v7 =	vmul.f32 v11, v17  }
0x1a4: {  	s23 =	sand.u32 $0x70, s0;
	s1 =	sor.u32 s1, s9;
	s6 =	sor.u32 s6, s10;
	[tilespmem:v5+s20+$0x0] =	vst.idx.add.f32.msk $0xffff, v12  }
0x1a5: {  	s9 =	sor.u32 s23, s11;
	s10 =	sadd.s32 $0x1A500, s1;
	v3 =	vld [tilespmem:s1+$0x1A500];
	s1 =	sor.u32 s7, s22  }
0x1a6: {  	s7 =	sadd.s32 $0x1A500, s9;
	v9 =	vld [tilespmem:s10+$0x80];
	s10 =	sadd.s32 $0x1A500, s6;
	s11 =	sadd.s32 $0x1A500, s1  }
0x1a7: {  	v10 =	vld [tilespmem:s10+$0x80]  }
0x1a8: {  	v11 =	vld.idx.msk [tilespmem:v16+s4+$0x0], $0xffff  }
0x1a9: {  	v12 =	vld.idx.msk [tilespmem:v8+s4+$0x0], $0xffff  }
0x1aa: {  	v14 =	vld [tilespmem:s11+$0x80]  }
0x1ab: {  	s26 =	sadd.s32 $0x50, s26;
	v15 =	vld [tilespmem:s7+$0x80]  }
0x1ac: {  	v17 =	vld [tilespmem:s26+$0x20]  }
0x1ad: {  	v5 =	vld [tilespmem:s6+$0x1A500]  }
0x1ae: {  	v8 =	vld [tilespmem:s1+$0x1A500]  }
0x1af: {  	v11 =	vmul.f32 v12, v11;
	v6 =	vld [tilespmem:s9+$0x1A500]  }
0x1b0: {  	v13 =	vld.idx.msk [tilespmem:v9+s4+$0x0], $0xffff  }
0x1b1: {  	v12 =	vld.idx.msk [tilespmem:v10+s4+$0x0], $0xffff;
	v9 =	vmul.f32 v11, v17  }
0x1b2: {  	v11 =	vld.idx.msk [tilespmem:v14+s4+$0x0], $0xffff  }
0x1b3: {  	[tilespmem:v16+s20+$0x0] =	vst.idx.add.f32.msk $0xffff, v9  }
0x1b4: {  	v10 =	vld.idx.msk [tilespmem:v15+s4+$0x0], $0xffff  }
0x1b5: {  	v18 =	vld.idx.msk [tilespmem:v3+s4+$0x0], $0xffff  }
.Ltmp8:
0x1b6: {  	v17 =	vld.idx.msk [tilespmem:v5+s4+$0x0], $0xffff;
	(pc) =	sbr.rel @p1 .LBB2_13-.Ltmp8, $4  }
0x1b7: {  	v16 =	vld.idx.msk [tilespmem:v8+s4+$0x0], $0xffff  }
0x1b8: {  	v14 =	vld.idx.msk [tilespmem:v6+s4+$0x0], $0xffff  }
0x1b9: {  	v9 =	vld [tilespmem:s26+$0xFFFFFFE0]  }
0x1ba: {  	s0 =	sadd.s32 $0x50, s0;
	s2 =	sadd.s32 $0xA0, s2;
	v15 =	vld [tilespmem:s26+$0xFFFFFFF0]  }
0x1bb: {  	v19 =	vld [tilespmem:s26+$0x0]  }
0x1bc: {  	v20 =	vld [tilespmem:s26+$0x10]  }
0x1bd: {  	v13 =	vmul.f32 v13, v18  }
0x1be: {  	v12 =	vmul.f32 v12, v17  }
0x1bf: {  	[tilespmem:v2+s20+$0x0] =	vst.idx.add.f32.msk $0xffff, v7;
	v11 =	vmul.f32 v11, v16;
	v2 =	vmul.f32 v13, v15  }
.Ltmp9:
0x1c0: {  	[tilespmem:v1+s20+$0x0] =	vst.idx.add.f32.msk $0xffff, v4;
	v62 =	vmul.f32 v10, v14;
	v63 =	vmul.f32 v12, v19;
	(pc) =	sbr.rel .LBB2_15-.Ltmp9, $4  }
0x1c1: {  	v1 =	vmul.f32 v11, v20;
	[tilespmem:v3+s20+$0x0] =	vst.idx.add.f32.msk $0xffff, v2  }
0x1c2: {  	v2 =	vmul.f32 v62, v9;
	[tilespmem:v5+s20+$0x0] =	vst.idx.add.f32.msk $0xffff, v63  }
0x1c3: {  	[tilespmem:v8+s20+$0x0] =	vst.idx.add.f32.msk $0xffff, v1  }
0x1c4: {  	[tilespmem:v6+s20+$0x0] =	vst.idx.add.f32.msk $0xffff, v2  }
.LBB2_16:
0x1c5: {  	_ =	sfence.sel $0x180000  }
0x1c6: {  	[bflag:$0x0] =	sbarrier.arrive $0xFFFF  }
0x1c7: {  	_ =	strace $0x90000047  }
0x1c8: {  	s0 =	stileid.u32;
	[bflag:$0x2] =	sbarrier.arrive $0xFFFF  }
0x1c9: {  	p0 =	sne.s32 s0, $0x0;
	s0 =	rddreg [dreg:$0x3]  }
0x1ca: {  	s0 =	sadd.s32 @!p0 $0x100000, s0  }
0x1cb: {  	[sflag:s0] =	ssyncadd.tile.s32 @!p0 $0x1;
	_ =	shalt  }
.Lfunc_end2:
_tile_overlayer_lowered:
.L_overlay_start_2:
0x1cc: {  	(tag) =	ssettag $0x2  }
0x1cd: {  	s0 =	rddreg [dreg:$0x0];
	s2 =	stileid.u32  }
0x1ce: {  	s1 =	rddreg [dreg:$0x1];
	p0 =	sne.s32 s2, $0x0  }
0x1cf: {  	s3 =	rddreg [dreg:$0x2];
	[bflag:$0x3] =	sbarrier.arrive $0xFFFF;
	s2 =	simm.s32 @!p0 $0x1C04  }
0x1d0: {  	[timem:s3], [sflag:s2] =	dma.local @!p0 [hbm:s0], s1  }
0x1d1: {  	s0 =	simm.s32 @!p0 $0x4  }
0x1d2: {  	_ =	swait.ge @!p0 [sflag:s0], s1  }
0x1d3: {  	s1 =	ssub.s32 @!p0 $0x0, s1;
	[sflag:s0] =	ssyncset.done @!p0 $0x0  }
0x1d4: {  	[sflag:s0] =	ssyncadd.s32 @!p0 s1  }
0x1d5: {  	[bflag:$0x3] =	sbarrier.arrive $0xFFFF  }
0x1d6: {  	_ =	shalt  }

</sc_bundles>
